<compile_context>
chip_gen: v7x
topology: tpu7x:2x2x1
jax: 0.10.2.dev20260603
libtpu: 0.0.44.dev20260713+nightly
codegen_flags: <defaults>
</compile_context>

<pallas_src>
import functools

import jax
import jax.numpy as jnp
from jax import lax
from jax.experimental import pallas as pl
from jax.experimental.pallas import tpu as pltpu
from jax.experimental.pallas import tpu_sc as plsc

MAXLEN = 200
EMB = 64
LANES = 128
NUM_TILES = 32
NBUF = 4
SPLIT = (104, 96)


def _tok_pos_embed(x_flat, tok_padded, pos_table):
    total = x_flat.shape[0]
    rows_per_tile = total // NUM_TILES
    nchunk = 2 * (rows_per_tile // MAXLEN)
    mesh = plsc.VectorSubcoreMesh(core_axis_name="c", subcore_axis_name="s")

    @functools.partial(
        pl.kernel,
        out_type=jax.ShapeDtypeStruct((total, LANES), jnp.float32),
        mesh=mesh,
        scratch_types=[
            pltpu.VMEM((rows_per_tile,), jnp.int32),
            pltpu.VMEM((MAXLEN, EMB), jnp.float32),
        ] + [pltpu.VMEM((SPLIT[0], LANES), jnp.float32) for _ in range(NBUF)]
          + [pltpu.SemaphoreType.DMA for _ in range(2 * NBUF)],
    )
    def k(x_hbm, tok_hbm, pos_hbm, out_hbm, idx_v, pos_v, *bufs_and_sems):
        bufs = bufs_and_sems[:NBUF]
        gsems = bufs_and_sems[NBUF:2 * NBUF]
        osems = bufs_and_sems[2 * NBUF:]
        wid = lax.axis_index("s") * 2 + lax.axis_index("c")
        base = wid * rows_per_tile
        pltpu.sync_copy(x_hbm.at[pl.ds(base, rows_per_tile)], idx_v)
        pltpu.sync_copy(pos_hbm, pos_v)

        def chunk_off(c):
            return (c // 2) * MAXLEN + (c % 2) * SPLIT[0]

        def issue_gather(c, b, n):
            pltpu.async_copy(
                tok_hbm.at[idx_v.at[pl.ds(chunk_off(c), n)]],
                bufs[b].at[pl.ds(0, n)], gsems[b])

        def wait_gather(c, b, n):
            pltpu.make_async_copy(
                tok_hbm.at[idx_v.at[pl.ds(chunk_off(c), n)]],
                bufs[b].at[pl.ds(0, n)], gsems[b]).wait()

        def issue_out(c, b, n):
            pltpu.async_copy(
                bufs[b].at[pl.ds(0, n)],
                out_hbm.at[pl.ds(base + chunk_off(c), n)], osems[b])

        def wait_out(c, b, n):
            pltpu.make_async_copy(
                bufs[b].at[pl.ds(0, n)],
                out_hbm.at[pl.ds(base + chunk_off(c), n)], osems[b]).wait()

        issue_gather(0, 0, SPLIT[0])
        issue_gather(1, 1, SPLIT[1])

        @pl.loop(0, nchunk, step=NBUF)
        def _grp(g):
            for b in range(NBUF):
                c = g + b
                n = SPLIT[b % 2]
                p0 = (b % 2) * SPLIT[0]
                bp = (b + 2) % NBUF
                np_ = SPLIT[bp % 2]
                wait_gather(c, b, n)

                @pl.when(c + 2 < nchunk)
                def _prefetch():
                    @pl.when(c >= 2)
                    def _drain():
                        wait_out(c - 2, bp, np_)
                    issue_gather(c + 2, bp, np_)

                @pl.loop(0, n, unroll=4)
                def _row(r):
                    for col in range(0, EMB, 16):
                        plsc.addupdate(bufs[b].at[r, pl.ds(col, 16)],
                                       pos_v[p0 + r, pl.ds(col, 16)])

                issue_out(c, b, n)

        for b in range(NBUF):
            wait_out(nchunk - NBUF + b, b, SPLIT[b % 2])

    return k(x_flat, tok_padded, pos_table)


def kernel(x, token_table, pos_table):
    batch, seq = x.shape
    if seq < MAXLEN:
        x = jnp.pad(x, ((0, 0), (0, MAXLEN - seq)))
    else:
        x = x[:, :MAXLEN]
    x_flat = x.reshape(-1).astype(jnp.int32)
    tok_padded = jnp.pad(token_table, ((0, 0), (0, LANES - EMB)))
    out = _tok_pos_embed(x_flat, tok_padded, pos_table)
    return out[:, :EMB].reshape(batch, MAXLEN, EMB)

# --- scband reference (transcript-rebuilt; emitter-appended) ---
"""Pipeline reference for scband-token-and-position-embedding-64630667870888 (READ-ONLY COPY).

The authoritative reference and input builder live on the scoring server;
editing this copy changes nothing except your own understanding.
"""

import jax, jax.numpy as jnp
import numpy as np

MAXLEN = 200
VOCAB_SIZE = 1000000
EMBED_DIM = 64
BATCH = 4096

def setup_inputs(seed: int = 0) -> dict:
    key = jax.random.key(seed)
    k1, k2, k3 = jax.random.split(key, 3)
    x = jax.random.randint(k1, (BATCH, MAXLEN), 0, VOCAB_SIZE, dtype=jnp.int64 if jax.config.jax_enable_x64 else jnp.int32)
    token_table = jax.random.normal(k2, (VOCAB_SIZE, EMBED_DIM), dtype=jnp.float32) * 0.05
    pos_table = jax.random.normal(k3, (MAXLEN, EMBED_DIM), dtype=jnp.float32) * 0.05
    return {"x": x, "token_table": token_table, "pos_table": pos_table}

def reference(x, token_table, pos_table):
    # Faithful translation of TokenAndPositionEmbedding.call
    seq_len = x.shape[-1]
    pad_len = MAXLEN - seq_len
    if pad_len > 0:
        x = jnp.pad(x, ((0, 0), (0, pad_len)), constant_values=0)
    else:
        x = x[:, :MAXLEN]
    positions = jnp.arange(0, MAXLEN, 1)
    pos_embedded = jnp.take(pos_table, positions, axis=0)
    tok_embedded = jnp.take(token_table, x, axis=0)
    return tok_embedded + pos_embedded

if __name__ == "__main__":
    import jax
    _d = setup_inputs()
    print(jax.jit(kernel)(*tuple(_d.values())))

</pallas_src>

<mosaic_0001>
#map = affine_map<(d0, d1) -> (0)>
#map1 = affine_map<(d0, d1) -> (0, 0)>
module attributes {stable_mosaic.version = 14 : i64} {
  func.func @k(%arg0: i32, %arg1: i32, %arg2: memref<819200xi32, #tpu.memory_space<hbm>>, %arg3: memref<1000000x128xf32, #tpu.memory_space<hbm>>, %arg4: memref<200x64xf32, #tpu.memory_space<hbm>>, %arg5: memref<819200x128xf32, #tpu.memory_space<hbm>>, %arg6: memref<25600xi32, #tpu.memory_space<vmem>>, %arg7: memref<200x64xf32, #tpu.memory_space<vmem>>, %arg8: memref<104x128xf32, #tpu.memory_space<vmem>>, %arg9: memref<104x128xf32, #tpu.memory_space<vmem>>, %arg10: memref<104x128xf32, #tpu.memory_space<vmem>>, %arg11: memref<104x128xf32, #tpu.memory_space<vmem>>, %arg12: memref<!tpu.dma_semaphore, #tpu.memory_space<semaphore_mem>>, %arg13: memref<!tpu.dma_semaphore, #tpu.memory_space<semaphore_mem>>, %arg14: memref<!tpu.dma_semaphore, #tpu.memory_space<semaphore_mem>>, %arg15: memref<!tpu.dma_semaphore, #tpu.memory_space<semaphore_mem>>, %arg16: memref<!tpu.dma_semaphore, #tpu.memory_space<semaphore_mem>>, %arg17: memref<!tpu.dma_semaphore, #tpu.memory_space<semaphore_mem>>, %arg18: memref<!tpu.dma_semaphore, #tpu.memory_space<semaphore_mem>>, %arg19: memref<!tpu.dma_semaphore, #tpu.memory_space<semaphore_mem>>) attributes {dimension_semantics = [#tpu.dimension_semantics<core_parallel>, #tpu.dimension_semantics<subcore_parallel>], iteration_bounds = array<i64: 2, 16>, scalar_prefetch = 0 : i64, scratch_operands = 14 : i64, tpu.core_type = #tpu.core_type<sc_vector_subcore>, window_params = [{transform_indices = #map}, {transform_indices = #map1}, {transform_indices = #map1}, {transform_indices = #map1}]} {
    %mul3A = arith.constant 2 : i32
    %mul3A_0 = arith.muli %arg1, %mul3A : i32
    %add3A = arith.addi %mul3A_0, %arg0 : i32
    %mul3A_1 = arith.constant 25600 : i32
    %mul3A_2 = arith.muli %add3A, %mul3A_1 : i32
    "tpu.region"() ({
      %run_scoped3A = tpu.sem_alloc : memref<!tpu.dma_semaphore, #tpu.memory_space<semaphore_mem>>
      %dma_start3A_69 = tpu.memref_slice %arg2[%mul3A_2] : memref<819200xi32, #tpu.memory_space<hbm>> -> memref<25600xi32, #tpu.memory_space<hbm>>
      %dma_start3A_70 = tpu.memref_slice %arg2[%mul3A_2] : memref<819200xi32, #tpu.memory_space<hbm>> -> memref<25600xi32, #tpu.memory_space<hbm>>
      tpu.enqueue_dma source(%dma_start3A_70 : memref<25600xi32, #tpu.memory_space<hbm>>) target(%arg6 : memref<25600xi32, #tpu.memory_space<vmem>>) target_semaphore(%run_scoped3A : memref<!tpu.dma_semaphore, #tpu.memory_space<semaphore_mem>>)
      %dma_wait3A_71 = tpu.memref_slice %arg2[%mul3A_2] : memref<819200xi32, #tpu.memory_space<hbm>> -> memref<25600xi32, #tpu.memory_space<hbm>>
      %dma_wait3A_72 = tpu.memref_slice %arg2[%mul3A_2] : memref<819200xi32, #tpu.memory_space<hbm>> -> memref<25600xi32, #tpu.memory_space<hbm>>
      tpu.wait_dma2 semaphore(%run_scoped3A : memref<!tpu.dma_semaphore, #tpu.memory_space<semaphore_mem>>) src(%dma_wait3A_72 : memref<25600xi32, #tpu.memory_space<hbm>>) dst(%arg6 : memref<25600xi32, #tpu.memory_space<vmem>>)
      tpu.yield
    }) : () -> ()
    "tpu.region"() ({
      %run_scoped3A = tpu.sem_alloc : memref<!tpu.dma_semaphore, #tpu.memory_space<semaphore_mem>>
      tpu.enqueue_dma source(%arg4 : memref<200x64xf32, #tpu.memory_space<hbm>>) target(%arg7 : memref<200x64xf32, #tpu.memory_space<vmem>>) target_semaphore(%run_scoped3A : memref<!tpu.dma_semaphore, #tpu.memory_space<semaphore_mem>>)
      tpu.wait_dma2 semaphore(%run_scoped3A : memref<!tpu.dma_semaphore, #tpu.memory_space<semaphore_mem>>) src(%arg4 : memref<200x64xf32, #tpu.memory_space<hbm>>) dst(%arg7 : memref<200x64xf32, #tpu.memory_space<vmem>>)
      tpu.yield
    }) : () -> ()
    %dma_start3A = arith.constant 0 : i32
    %dma_start3A_3 = arith.constant 0 : i32
    %dma_start3A_4 = tpu.memref_slice %arg8[%dma_start3A, %dma_start3A_3] : memref<104x128xf32, #tpu.memory_space<vmem>> -> memref<104x128xf32, #tpu.memory_space<vmem>>
    %dma_start3A_5 = arith.constant 0 : i32
    %dma_start3A_6 = tpu.memref_slice %arg6[%dma_start3A_5] : memref<25600xi32, #tpu.memory_space<vmem>> -> memref<104xi32, #tpu.memory_space<vmem>>
    %dma_start3A_7 = arith.constant 0 : i32
    %dma_start3A_8 = arith.constant 0 : i32
    %dma_start3A_9 = tpu.memref_slice %arg3[%dma_start3A_7, %dma_start3A_8] : memref<1000000x128xf32, #tpu.memory_space<hbm>> -> memref<1000000x128xf32, #tpu.memory_space<hbm>>
    tpu.enqueue_indirect_dma source(%dma_start3A_9 : memref<1000000x128xf32, #tpu.memory_space<hbm>>) target(%dma_start3A_4 : memref<104x128xf32, #tpu.memory_space<vmem>>) offsets(%dma_start3A_6 : memref<104xi32, #tpu.memory_space<vmem>>) semaphore(%arg12 : memref<!tpu.dma_semaphore, #tpu.memory_space<semaphore_mem>>)
    %dma_start3A_10 = arith.constant 0 : i32
    %dma_start3A_11 = arith.constant 0 : i32
    %dma_start3A_12 = tpu.memref_slice %arg9[%dma_start3A_10, %dma_start3A_11] : memref<104x128xf32, #tpu.memory_space<vmem>> -> memref<96x128xf32, #tpu.memory_space<vmem>>
    %dma_start3A_13 = arith.constant 104 : i32
    %dma_start3A_14 = tpu.memref_slice %arg6[%dma_start3A_13] : memref<25600xi32, #tpu.memory_space<vmem>> -> memref<96xi32, #tpu.memory_space<vmem>>
    %dma_start3A_15 = arith.constant 0 : i32
    %dma_start3A_16 = arith.constant 0 : i32
    %dma_start3A_17 = tpu.memref_slice %arg3[%dma_start3A_15, %dma_start3A_16] : memref<1000000x128xf32, #tpu.memory_space<hbm>> -> memref<1000000x128xf32, #tpu.memory_space<hbm>>
    tpu.enqueue_indirect_dma source(%dma_start3A_17 : memref<1000000x128xf32, #tpu.memory_space<hbm>>) target(%dma_start3A_12 : memref<96x128xf32, #tpu.memory_space<vmem>>) offsets(%dma_start3A_14 : memref<96xi32, #tpu.memory_space<vmem>>) semaphore(%arg13 : memref<!tpu.dma_semaphore, #tpu.memory_space<semaphore_mem>>)
    %scan3A = arith.constant 0 : i32
    %scan3A_18 = arith.constant 64 : i32
    %scan3A_19 = arith.addi %scan3A, %scan3A_18 : i32
    %scan3A_20 = arith.constant 1 : i32
    scf.for %scan3A_69 = %scan3A to %scan3A_19 step %scan3A_20  : i32 {
      %mul3A_70 = arith.constant 4 : i32
      %mul3A_71 = arith.muli %scan3A_69, %mul3A_70 : i32
      %add3A_72 = arith.constant 0 : i32
      %add3A_73 = arith.addi %add3A_72, %mul3A_71 : i32
      %add3A_74 = arith.constant 0 : i32
      %add3A_75 = arith.addi %add3A_73, %add3A_74 : i32
      %jit3A = arith.constant 2 : i32
      %div3A = arith.divsi %add3A_75, %jit3A : i32
      %sign3A = arith.constant 0 : i32
      %sign3A_76 = arith.cmpi sgt, %add3A_75, %sign3A : i32
      %sign3A_77 = arith.extui %sign3A_76 : i1 to i32
      %sign3A_78 = arith.constant 0 : i32
      %sign3A_79 = arith.cmpi slt, %add3A_75, %sign3A_78 : i32
      %sign3A_80 = arith.extui %sign3A_79 : i1 to i32
      %sign3A_81 = arith.subi %sign3A_77, %sign3A_80 : i32
      %sign3A_82 = arith.constant 0 : i32
      %sign3A_83 = arith.cmpi sgt, %jit3A, %sign3A_82 : i32
      %sign3A_84 = arith.extui %sign3A_83 : i1 to i32
      %sign3A_85 = arith.constant 0 : i32
      %sign3A_86 = arith.cmpi slt, %jit3A, %sign3A_85 : i32
      %sign3A_87 = arith.extui %sign3A_86 : i1 to i32
      %sign3A_88 = arith.subi %sign3A_84, %sign3A_87 : i32
      %ne3A = arith.cmpi ne, %sign3A_81, %sign3A_88 : i32
      %rem3A = arith.remsi %add3A_75, %jit3A : i32
      %ne3A_89 = arith.constant 0 : i32
      %ne3A_90 = arith.cmpi ne, %rem3A, %ne3A_89 : i32
      %and3A = arith.andi %ne3A, %ne3A_90 : i1
      %sub3A = arith.constant 1 : i32
      %sub3A_91 = arith.subi %div3A, %sub3A : i32
      %select_n3A = arith.select %and3A, %sub3A_91, %div3A : i32
      %mul3A_92 = arith.constant 200 : i32
      %mul3A_93 = arith.muli %select_n3A, %mul3A_92 : i32
      %jit3A_94 = arith.constant 2 : i32
      %eq3A = arith.constant 0 : i32
      %eq3A_95 = arith.cmpi eq, %jit3A_94, %eq3A : i32
      %jit3A_96 = arith.constant 1 : i32
      %select_n3A_97 = arith.select %eq3A_95, %jit3A_96, %jit3A_94 : i32
      %rem3A_98 = arith.remsi %add3A_75, %select_n3A_97 : i32
      %ne3A_99 = arith.constant 0 : i32
      %ne3A_100 = arith.cmpi ne, %rem3A_98, %ne3A_99 : i32
      %lt3A = arith.constant 0 : i32
      %lt3A_101 = arith.cmpi slt, %rem3A_98, %lt3A : i32
      %lt3A_102 = arith.constant 0 : i32
      %lt3A_103 = arith.cmpi slt, %select_n3A_97, %lt3A_102 : i32
      %ne3A_104 = arith.xori %lt3A_101, %lt3A_103 : i1
      %and3A_105 = arith.andi %ne3A_104, %ne3A_100 : i1
      %add3A_106 = arith.addi %rem3A_98, %select_n3A_97 : i32
      %select_n3A_107 = arith.select %and3A_105, %add3A_106, %rem3A_98 : i32
      %mul3A_108 = arith.constant 104 : i32
      %mul3A_109 = arith.muli %select_n3A_107, %mul3A_108 : i32
      %add3A_110 = arith.addi %mul3A_93, %mul3A_109 : i32
      %dma_wait3A_111 = arith.constant 0 : i32
      %dma_wait3A_112 = arith.constant 0 : i32
      %dma_wait3A_113 = tpu.memref_slice %arg8[%dma_wait3A_111, %dma_wait3A_112] : memref<104x128xf32, #tpu.memory_space<vmem>> -> memref<104x128xf32, #tpu.memory_space<vmem>>
      %dma_wait3A_114 = tpu.memref_slice %arg6[%add3A_110] : memref<25600xi32, #tpu.memory_space<vmem>> -> memref<104xi32, #tpu.memory_space<vmem>>
      %dma_wait3A_115 = arith.constant 0 : i32
      %dma_wait3A_116 = arith.constant 0 : i32
      %dma_wait3A_117 = tpu.memref_slice %arg3[%dma_wait3A_115, %dma_wait3A_116] : memref<1000000x128xf32, #tpu.memory_space<hbm>> -> memref<1000000x128xf32, #tpu.memory_space<hbm>>
      tpu.wait_indirect_dma semaphore(%arg12 : memref<!tpu.dma_semaphore, #tpu.memory_space<semaphore_mem>>) src(%dma_wait3A_117 : memref<1000000x128xf32, #tpu.memory_space<hbm>>) dst(%dma_wait3A_113 : memref<104x128xf32, #tpu.memory_space<vmem>>)
      %add3A_118 = arith.constant 2 : i32
      %add3A_119 = arith.addi %add3A_75, %add3A_118 : i32
      %lt3A_120 = arith.constant 256 : i32
      %lt3A_121 = arith.cmpi slt, %add3A_119, %lt3A_120 : i32
      %convert_element_type3A = arith.extui %lt3A_121 : i1 to i32
      %cond3A = arith.constant 0 : i32
      %cond3A_122 = arith.cmpi ne, %convert_element_type3A, %cond3A : i32
      scf.if %cond3A_122 {
        %ge3A = arith.constant 2 : i32
        %ge3A_550 = arith.cmpi sge, %add3A_75, %ge3A : i32
        %convert_element_type3A_551 = arith.extui %ge3A_550 : i1 to i32
        %cond3A_552 = arith.constant 0 : i32
        %cond3A_553 = arith.cmpi ne, %convert_element_type3A_551, %cond3A_552 : i32
        scf.if %cond3A_553 {
          %sub3A_608 = arith.constant 2 : i32
          %sub3A_609 = arith.subi %add3A_75, %sub3A_608 : i32
          %jit3A_610 = arith.constant 2 : i32
          %div3A_611 = arith.divsi %sub3A_609, %jit3A_610 : i32
          %sign3A_612 = arith.constant 0 : i32
          %sign3A_613 = arith.cmpi sgt, %sub3A_609, %sign3A_612 : i32
          %sign3A_614 = arith.extui %sign3A_613 : i1 to i32
          %sign3A_615 = arith.constant 0 : i32
          %sign3A_616 = arith.cmpi slt, %sub3A_609, %sign3A_615 : i32
          %sign3A_617 = arith.extui %sign3A_616 : i1 to i32
          %sign3A_618 = arith.subi %sign3A_614, %sign3A_617 : i32
          %sign3A_619 = arith.constant 0 : i32
          %sign3A_620 = arith.cmpi sgt, %jit3A_610, %sign3A_619 : i32
          %sign3A_621 = arith.extui %sign3A_620 : i1 to i32
          %sign3A_622 = arith.constant 0 : i32
          %sign3A_623 = arith.cmpi slt, %jit3A_610, %sign3A_622 : i32
          %sign3A_624 = arith.extui %sign3A_623 : i1 to i32
          %sign3A_625 = arith.subi %sign3A_621, %sign3A_624 : i32
          %ne3A_626 = arith.cmpi ne, %sign3A_618, %sign3A_625 : i32
          %rem3A_627 = arith.remsi %sub3A_609, %jit3A_610 : i32
          %ne3A_628 = arith.constant 0 : i32
          %ne3A_629 = arith.cmpi ne, %rem3A_627, %ne3A_628 : i32
          %and3A_630 = arith.andi %ne3A_626, %ne3A_629 : i1
          %sub3A_631 = arith.constant 1 : i32
          %sub3A_632 = arith.subi %div3A_611, %sub3A_631 : i32
          %select_n3A_633 = arith.select %and3A_630, %sub3A_632, %div3A_611 : i32
          %mul3A_634 = arith.constant 200 : i32
          %mul3A_635 = arith.muli %select_n3A_633, %mul3A_634 : i32
          %jit3A_636 = arith.constant 2 : i32
          %eq3A_637 = arith.constant 0 : i32
          %eq3A_638 = arith.cmpi eq, %jit3A_636, %eq3A_637 : i32
          %jit3A_639 = arith.constant 1 : i32
          %select_n3A_640 = arith.select %eq3A_638, %jit3A_639, %jit3A_636 : i32
          %rem3A_641 = arith.remsi %sub3A_609, %select_n3A_640 : i32
          %ne3A_642 = arith.constant 0 : i32
          %ne3A_643 = arith.cmpi ne, %rem3A_641, %ne3A_642 : i32
          %lt3A_644 = arith.constant 0 : i32
          %lt3A_645 = arith.cmpi slt, %rem3A_641, %lt3A_644 : i32
          %lt3A_646 = arith.constant 0 : i32
          %lt3A_647 = arith.cmpi slt, %select_n3A_640, %lt3A_646 : i32
          %ne3A_648 = arith.xori %lt3A_645, %lt3A_647 : i1
          %and3A_649 = arith.andi %ne3A_648, %ne3A_643 : i1
          %add3A_650 = arith.addi %rem3A_641, %select_n3A_640 : i32
          %select_n3A_651 = arith.select %and3A_649, %add3A_650, %rem3A_641 : i32
          %mul3A_652 = arith.constant 104 : i32
          %mul3A_653 = arith.muli %select_n3A_651, %mul3A_652 : i32
          %add3A_654 = arith.addi %mul3A_635, %mul3A_653 : i32
          %add3A_655 = arith.addi %mul3A_2, %add3A_654 : i32
          %dma_wait3A_656 = arith.constant 0 : i32
          %dma_wait3A_657 = arith.constant 0 : i32
          %dma_wait3A_658 = tpu.memref_slice %arg10[%dma_wait3A_656, %dma_wait3A_657] : memref<104x128xf32, #tpu.memory_space<vmem>> -> memref<104x128xf32, #tpu.memory_space<vmem>>
          %dma_wait3A_659 = arith.constant 0 : i32
          %dma_wait3A_660 = tpu.memref_slice %arg5[%add3A_655, %dma_wait3A_659] : memref<819200x128xf32, #tpu.memory_space<hbm>> -> memref<104x128xf32, #tpu.memory_space<hbm>>
          %dma_wait3A_661 = arith.constant 0 : i32
          %dma_wait3A_662 = tpu.memref_slice %arg5[%add3A_655, %dma_wait3A_661] : memref<819200x128xf32, #tpu.memory_space<hbm>> -> memref<104x128xf32, #tpu.memory_space<hbm>>
          %dma_wait3A_663 = arith.constant 0 : i32
          %dma_wait3A_664 = arith.constant 0 : i32
          %dma_wait3A_665 = tpu.memref_slice %arg10[%dma_wait3A_663, %dma_wait3A_664] : memref<104x128xf32, #tpu.memory_space<vmem>> -> memref<104x128xf32, #tpu.memory_space<vmem>>
          tpu.wait_dma2 semaphore(%arg18 : memref<!tpu.dma_semaphore, #tpu.memory_space<semaphore_mem>>) src(%dma_wait3A_665 : memref<104x128xf32, #tpu.memory_space<vmem>>) dst(%dma_wait3A_662 : memref<104x128xf32, #tpu.memory_space<hbm>>)
        } else {
        }
        %add3A_554 = arith.constant 2 : i32
        %add3A_555 = arith.addi %add3A_75, %add3A_554 : i32
        %jit3A_556 = arith.constant 2 : i32
        %div3A_557 = arith.divsi %add3A_555, %jit3A_556 : i32
        %sign3A_558 = arith.constant 0 : i32
        %sign3A_559 = arith.cmpi sgt, %add3A_555, %sign3A_558 : i32
        %sign3A_560 = arith.extui %sign3A_559 : i1 to i32
        %sign3A_561 = arith.constant 0 : i32
        %sign3A_562 = arith.cmpi slt, %add3A_555, %sign3A_561 : i32
        %sign3A_563 = arith.extui %sign3A_562 : i1 to i32
        %sign3A_564 = arith.subi %sign3A_560, %sign3A_563 : i32
        %sign3A_565 = arith.constant 0 : i32
        %sign3A_566 = arith.cmpi sgt, %jit3A_556, %sign3A_565 : i32
        %sign3A_567 = arith.extui %sign3A_566 : i1 to i32
        %sign3A_568 = arith.constant 0 : i32
        %sign3A_569 = arith.cmpi slt, %jit3A_556, %sign3A_568 : i32
        %sign3A_570 = arith.extui %sign3A_569 : i1 to i32
        %sign3A_571 = arith.subi %sign3A_567, %sign3A_570 : i32
        %ne3A_572 = arith.cmpi ne, %sign3A_564, %sign3A_571 : i32
        %rem3A_573 = arith.remsi %add3A_555, %jit3A_556 : i32
        %ne3A_574 = arith.constant 0 : i32
        %ne3A_575 = arith.cmpi ne, %rem3A_573, %ne3A_574 : i32
        %and3A_576 = arith.andi %ne3A_572, %ne3A_575 : i1
        %sub3A_577 = arith.constant 1 : i32
        %sub3A_578 = arith.subi %div3A_557, %sub3A_577 : i32
        %select_n3A_579 = arith.select %and3A_576, %sub3A_578, %div3A_557 : i32
        %mul3A_580 = arith.constant 200 : i32
        %mul3A_581 = arith.muli %select_n3A_579, %mul3A_580 : i32
        %jit3A_582 = arith.constant 2 : i32
        %eq3A_583 = arith.constant 0 : i32
        %eq3A_584 = arith.cmpi eq, %jit3A_582, %eq3A_583 : i32
        %jit3A_585 = arith.constant 1 : i32
        %select_n3A_586 = arith.select %eq3A_584, %jit3A_585, %jit3A_582 : i32
        %rem3A_587 = arith.remsi %add3A_555, %select_n3A_586 : i32
        %ne3A_588 = arith.constant 0 : i32
        %ne3A_589 = arith.cmpi ne, %rem3A_587, %ne3A_588 : i32
        %lt3A_590 = arith.constant 0 : i32
        %lt3A_591 = arith.cmpi slt, %rem3A_587, %lt3A_590 : i32
        %lt3A_592 = arith.constant 0 : i32
        %lt3A_593 = arith.cmpi slt, %select_n3A_586, %lt3A_592 : i32
        %ne3A_594 = arith.xori %lt3A_591, %lt3A_593 : i1
        %and3A_595 = arith.andi %ne3A_594, %ne3A_589 : i1
        %add3A_596 = arith.addi %rem3A_587, %select_n3A_586 : i32
        %select_n3A_597 = arith.select %and3A_595, %add3A_596, %rem3A_587 : i32
        %mul3A_598 = arith.constant 104 : i32
        %mul3A_599 = arith.muli %select_n3A_597, %mul3A_598 : i32
        %add3A_600 = arith.addi %mul3A_581, %mul3A_599 : i32
        %dma_start3A_601 = arith.constant 0 : i32
        %dma_start3A_602 = arith.constant 0 : i32
        %dma_start3A_603 = tpu.memref_slice %arg10[%dma_start3A_601, %dma_start3A_602] : memref<104x128xf32, #tpu.memory_space<vmem>> -> memref<104x128xf32, #tpu.memory_space<vmem>>
        %dma_start3A_604 = tpu.memref_slice %arg6[%add3A_600] : memref<25600xi32, #tpu.memory_space<vmem>> -> memref<104xi32, #tpu.memory_space<vmem>>
        %dma_start3A_605 = arith.constant 0 : i32
        %dma_start3A_606 = arith.constant 0 : i32
        %dma_start3A_607 = tpu.memref_slice %arg3[%dma_start3A_605, %dma_start3A_606] : memref<1000000x128xf32, #tpu.memory_space<hbm>> -> memref<1000000x128xf32, #tpu.memory_space<hbm>>
        tpu.enqueue_indirect_dma source(%dma_start3A_607 : memref<1000000x128xf32, #tpu.memory_space<hbm>>) target(%dma_start3A_603 : memref<104x128xf32, #tpu.memory_space<vmem>>) offsets(%dma_start3A_604 : memref<104xi32, #tpu.memory_space<vmem>>) semaphore(%arg14 : memref<!tpu.dma_semaphore, #tpu.memory_space<semaphore_mem>>)
      } else {
      }
      %scan3A_123 = arith.constant 0 : i32
      %scan3A_124 = arith.constant 104 : i32
      %scan3A_125 = arith.addi %scan3A_123, %scan3A_124 : i32
      %scan3A_126 = arith.constant 4 : i32
      scf.for %scan3A_550 = %scan3A_123 to %scan3A_125 step %scan3A_126  : i32 {
        %mul3A_551 = arith.constant 1 : i32
        %mul3A_552 = arith.muli %scan3A_550, %mul3A_551 : i32
        %add3A_553 = arith.constant 0 : i32
        %add3A_554 = arith.addi %add3A_553, %mul3A_552 : i32
        %add3A_555 = arith.constant 0 : i32
        %add3A_556 = arith.addi %add3A_555, %add3A_554 : i32
        %get3A = arith.index_cast %add3A_556 : i32 to index
        %get3A_557 = arith.constant 0 : index
        %get3A_558 = tpu.vector_load %arg7[%get3A, %get3A_557] {strides = array<i32>} : memref<200x64xf32, #tpu.memory_space<vmem>>, vector<1x16xf32>,
        %get3A_559 = vector.shape_cast %get3A_558 : vector<1x16xf32> to vector<16xf32>
        %swap3A = arith.index_cast %add3A_554 : i32 to index
        %swap3A_560 = arith.constant 0 : index
        %swap3A_561 = tpu.vector_load %arg8[%swap3A, %swap3A_560] {strides = array<i32>} : memref<104x128xf32, #tpu.memory_space<vmem>>, vector<1x16xf32>,
        %swap3A_562 = vector.shape_cast %swap3A_561 : vector<1x16xf32> to vector<16xf32>
        %swap3A_563 = vector.shape_cast %get3A_559 : vector<16xf32> to vector<1x16xf32>
        tpu.vector_store %arg8[%swap3A, %swap3A_560], %swap3A_563 {add = true, strides = array<i32>} : memref<104x128xf32, #tpu.memory_space<vmem>>, vector<1x16xf32>,
        %add3A_564 = arith.constant 0 : i32
        %add3A_565 = arith.addi %add3A_564, %add3A_554 : i32
        %get3A_566 = arith.index_cast %add3A_565 : i32 to index
        %get3A_567 = arith.constant 16 : index
        %get3A_568 = tpu.vector_load %arg7[%get3A_566, %get3A_567] {strides = array<i32>} : memref<200x64xf32, #tpu.memory_space<vmem>>, vector<1x16xf32>,
        %get3A_569 = vector.shape_cast %get3A_568 : vector<1x16xf32> to vector<16xf32>
        %swap3A_570 = arith.index_cast %add3A_554 : i32 to index
        %swap3A_571 = arith.constant 16 : index
        %swap3A_572 = tpu.vector_load %arg8[%swap3A_570, %swap3A_571] {strides = array<i32>} : memref<104x128xf32, #tpu.memory_space<vmem>>, vector<1x16xf32>,
        %swap3A_573 = vector.shape_cast %swap3A_572 : vector<1x16xf32> to vector<16xf32>
        %swap3A_574 = vector.shape_cast %get3A_569 : vector<16xf32> to vector<1x16xf32>
        tpu.vector_store %arg8[%swap3A_570, %swap3A_571], %swap3A_574 {add = true, strides = array<i32>} : memref<104x128xf32, #tpu.memory_space<vmem>>, vector<1x16xf32>,
        %add3A_575 = arith.constant 0 : i32
        %add3A_576 = arith.addi %add3A_575, %add3A_554 : i32
        %get3A_577 = arith.index_cast %add3A_576 : i32 to index
        %get3A_578 = arith.constant 32 : index
        %get3A_579 = tpu.vector_load %arg7[%get3A_577, %get3A_578] {strides = array<i32>} : memref<200x64xf32, #tpu.memory_space<vmem>>, vector<1x16xf32>,
        %get3A_580 = vector.shape_cast %get3A_579 : vector<1x16xf32> to vector<16xf32>
        %swap3A_581 = arith.index_cast %add3A_554 : i32 to index
        %swap3A_582 = arith.constant 32 : index
        %swap3A_583 = tpu.vector_load %arg8[%swap3A_581, %swap3A_582] {strides = array<i32>} : memref<104x128xf32, #tpu.memory_space<vmem>>, vector<1x16xf32>,
        %swap3A_584 = vector.shape_cast %swap3A_583 : vector<1x16xf32> to vector<16xf32>
        %swap3A_585 = vector.shape_cast %get3A_580 : vector<16xf32> to vector<1x16xf32>
        tpu.vector_store %arg8[%swap3A_581, %swap3A_582], %swap3A_585 {add = true, strides = array<i32>} : memref<104x128xf32, #tpu.memory_space<vmem>>, vector<1x16xf32>,
        %add3A_586 = arith.constant 0 : i32
        %add3A_587 = arith.addi %add3A_586, %add3A_554 : i32
        %get3A_588 = arith.index_cast %add3A_587 : i32 to index
        %get3A_589 = arith.constant 48 : index
        %get3A_590 = tpu.vector_load %arg7[%get3A_588, %get3A_589] {strides = array<i32>} : memref<200x64xf32, #tpu.memory_space<vmem>>, vector<1x16xf32>,
        %get3A_591 = vector.shape_cast %get3A_590 : vector<1x16xf32> to vector<16xf32>
        %swap3A_592 = arith.index_cast %add3A_554 : i32 to index
        %swap3A_593 = arith.constant 48 : index
        %swap3A_594 = tpu.vector_load %arg8[%swap3A_592, %swap3A_593] {strides = array<i32>} : memref<104x128xf32, #tpu.memory_space<vmem>>, vector<1x16xf32>,
        %swap3A_595 = vector.shape_cast %swap3A_594 : vector<1x16xf32> to vector<16xf32>
        %swap3A_596 = vector.shape_cast %get3A_591 : vector<16xf32> to vector<1x16xf32>
        tpu.vector_store %arg8[%swap3A_592, %swap3A_593], %swap3A_596 {add = true, strides = array<i32>} : memref<104x128xf32, #tpu.memory_space<vmem>>, vector<1x16xf32>,
        %scan3A_597 = arith.constant 1 : i32
        %scan3A_598 = arith.addi %scan3A_550, %scan3A_597 : i32
        %mul3A_599 = arith.constant 1 : i32
        %mul3A_600 = arith.muli %scan3A_598, %mul3A_599 : i32
        %add3A_601 = arith.constant 0 : i32
        %add3A_602 = arith.addi %add3A_601, %mul3A_600 : i32
        %add3A_603 = arith.constant 0 : i32
        %add3A_604 = arith.addi %add3A_603, %add3A_602 : i32
        %get3A_605 = arith.index_cast %add3A_604 : i32 to index
        %get3A_606 = arith.constant 0 : index
        %get3A_607 = tpu.vector_load %arg7[%get3A_605, %get3A_606] {strides = array<i32>} : memref<200x64xf32, #tpu.memory_space<vmem>>, vector<1x16xf32>,
        %get3A_608 = vector.shape_cast %get3A_607 : vector<1x16xf32> to vector<16xf32>
        %swap3A_609 = arith.index_cast %add3A_602 : i32 to index
        %swap3A_610 = arith.constant 0 : index
        %swap3A_611 = tpu.vector_load %arg8[%swap3A_609, %swap3A_610] {strides = array<i32>} : memref<104x128xf32, #tpu.memory_space<vmem>>, vector<1x16xf32>,
        %swap3A_612 = vector.shape_cast %swap3A_611 : vector<1x16xf32> to vector<16xf32>
        %swap3A_613 = vector.shape_cast %get3A_608 : vector<16xf32> to vector<1x16xf32>
        tpu.vector_store %arg8[%swap3A_609, %swap3A_610], %swap3A_613 {add = true, strides = array<i32>} : memref<104x128xf32, #tpu.memory_space<vmem>>, vector<1x16xf32>,
        %add3A_614 = arith.constant 0 : i32
        %add3A_615 = arith.addi %add3A_614, %add3A_602 : i32
        %get3A_616 = arith.index_cast %add3A_615 : i32 to index
        %get3A_617 = arith.constant 16 : index
        %get3A_618 = tpu.vector_load %arg7[%get3A_616, %get3A_617] {strides = array<i32>} : memref<200x64xf32, #tpu.memory_space<vmem>>, vector<1x16xf32>,
        %get3A_619 = vector.shape_cast %get3A_618 : vector<1x16xf32> to vector<16xf32>
        %swap3A_620 = arith.index_cast %add3A_602 : i32 to index
        %swap3A_621 = arith.constant 16 : index
        %swap3A_622 = tpu.vector_load %arg8[%swap3A_620, %swap3A_621] {strides = array<i32>} : memref<104x128xf32, #tpu.memory_space<vmem>>, vector<1x16xf32>,
        %swap3A_623 = vector.shape_cast %swap3A_622 : vector<1x16xf32> to vector<16xf32>
        %swap3A_624 = vector.shape_cast %get3A_619 : vector<16xf32> to vector<1x16xf32>
        tpu.vector_store %arg8[%swap3A_620, %swap3A_621], %swap3A_624 {add = true, strides = array<i32>} : memref<104x128xf32, #tpu.memory_space<vmem>>, vector<1x16xf32>,
        %add3A_625 = arith.constant 0 : i32
        %add3A_626 = arith.addi %add3A_625, %add3A_602 : i32
        %get3A_627 = arith.index_cast %add3A_626 : i32 to index
        %get3A_628 = arith.constant 32 : index
        %get3A_629 = tpu.vector_load %arg7[%get3A_627, %get3A_628] {strides = array<i32>} : memref<200x64xf32, #tpu.memory_space<vmem>>, vector<1x16xf32>,
        %get3A_630 = vector.shape_cast %get3A_629 : vector<1x16xf32> to vector<16xf32>
        %swap3A_631 = arith.index_cast %add3A_602 : i32 to index
        %swap3A_632 = arith.constant 32 : index
        %swap3A_633 = tpu.vector_load %arg8[%swap3A_631, %swap3A_632] {strides = array<i32>} : memref<104x128xf32, #tpu.memory_space<vmem>>, vector<1x16xf32>,
        %swap3A_634 = vector.shape_cast %swap3A_633 : vector<1x16xf32> to vector<16xf32>
        %swap3A_635 = vector.shape_cast %get3A_630 : vector<16xf32> to vector<1x16xf32>
        tpu.vector_store %arg8[%swap3A_631, %swap3A_632], %swap3A_635 {add = true, strides = array<i32>} : memref<104x128xf32, #tpu.memory_space<vmem>>, vector<1x16xf32>,
        %add3A_636 = arith.constant 0 : i32
        %add3A_637 = arith.addi %add3A_636, %add3A_602 : i32
        %get3A_638 = arith.index_cast %add3A_637 : i32 to index
        %get3A_639 = arith.constant 48 : index
        %get3A_640 = tpu.vector_load %arg7[%get3A_638, %get3A_639] {strides = array<i32>} : memref<200x64xf32, #tpu.memory_space<vmem>>, vector<1x16xf32>,
        %get3A_641 = vector.shape_cast %get3A_640 : vector<1x16xf32> to vector<16xf32>
        %swap3A_642 = arith.index_cast %add3A_602 : i32 to index
        %swap3A_643 = arith.constant 48 : index
        %swap3A_644 = tpu.vector_load %arg8[%swap3A_642, %swap3A_643] {strides = array<i32>} : memref<104x128xf32, #tpu.memory_space<vmem>>, vector<1x16xf32>,
        %swap3A_645 = vector.shape_cast %swap3A_644 : vector<1x16xf32> to vector<16xf32>
        %swap3A_646 = vector.shape_cast %get3A_641 : vector<16xf32> to vector<1x16xf32>
        tpu.vector_store %arg8[%swap3A_642, %swap3A_643], %swap3A_646 {add = true, strides = array<i32>} : memref<104x128xf32, #tpu.memory_space<vmem>>, vector<1x16xf32>,
        %scan3A_647 = arith.constant 2 : i32
        %scan3A_648 = arith.addi %scan3A_550, %scan3A_647 : i32
        %mul3A_649 = arith.constant 1 : i32
        %mul3A_650 = arith.muli %scan3A_648, %mul3A_649 : i32
        %add3A_651 = arith.constant 0 : i32
        %add3A_652 = arith.addi %add3A_651, %mul3A_650 : i32
        %add3A_653 = arith.constant 0 : i32
        %add3A_654 = arith.addi %add3A_653, %add3A_652 : i32
        %get3A_655 = arith.index_cast %add3A_654 : i32 to index
        %get3A_656 = arith.constant 0 : index
        %get3A_657 = tpu.vector_load %arg7[%get3A_655, %get3A_656] {strides = array<i32>} : memref<200x64xf32, #tpu.memory_space<vmem>>, vector<1x16xf32>,
        %get3A_658 = vector.shape_cast %get3A_657 : vector<1x16xf32> to vector<16xf32>
        %swap3A_659 = arith.index_cast %add3A_652 : i32 to index
        %swap3A_660 = arith.constant 0 : index
        %swap3A_661 = tpu.vector_load %arg8[%swap3A_659, %swap3A_660] {strides = array<i32>} : memref<104x128xf32, #tpu.memory_space<vmem>>, vector<1x16xf32>,
        %swap3A_662 = vector.shape_cast %swap3A_661 : vector<1x16xf32> to vector<16xf32>
        %swap3A_663 = vector.shape_cast %get3A_658 : vector<16xf32> to vector<1x16xf32>
        tpu.vector_store %arg8[%swap3A_659, %swap3A_660], %swap3A_663 {add = true, strides = array<i32>} : memref<104x128xf32, #tpu.memory_space<vmem>>, vector<1x16xf32>,
        %add3A_664 = arith.constant 0 : i32
        %add3A_665 = arith.addi %add3A_664, %add3A_652 : i32
        %get3A_666 = arith.index_cast %add3A_665 : i32 to index
        %get3A_667 = arith.constant 16 : index
        %get3A_668 = tpu.vector_load %arg7[%get3A_666, %get3A_667] {strides = array<i32>} : memref<200x64xf32, #tpu.memory_space<vmem>>, vector<1x16xf32>,
        %get3A_669 = vector.shape_cast %get3A_668 : vector<1x16xf32> to vector<16xf32>
        %swap3A_670 = arith.index_cast %add3A_652 : i32 to index
        %swap3A_671 = arith.constant 16 : index
        %swap3A_672 = tpu.vector_load %arg8[%swap3A_670, %swap3A_671] {strides = array<i32>} : memref<104x128xf32, #tpu.memory_space<vmem>>, vector<1x16xf32>,
        %swap3A_673 = vector.shape_cast %swap3A_672 : vector<1x16xf32> to vector<16xf32>
        %swap3A_674 = vector.shape_cast %get3A_669 : vector<16xf32> to vector<1x16xf32>
        tpu.vector_store %arg8[%swap3A_670, %swap3A_671], %swap3A_674 {add = true, strides = array<i32>} : memref<104x128xf32, #tpu.memory_space<vmem>>, vector<1x16xf32>,
        %add3A_675 = arith.constant 0 : i32
        %add3A_676 = arith.addi %add3A_675, %add3A_652 : i32
        %get3A_677 = arith.index_cast %add3A_676 : i32 to index
        %get3A_678 = arith.constant 32 : index
        %get3A_679 = tpu.vector_load %arg7[%get3A_677, %get3A_678] {strides = array<i32>} : memref<200x64xf32, #tpu.memory_space<vmem>>, vector<1x16xf32>,
        %get3A_680 = vector.shape_cast %get3A_679 : vector<1x16xf32> to vector<16xf32>
        %swap3A_681 = arith.index_cast %add3A_652 : i32 to index
        %swap3A_682 = arith.constant 32 : index
        %swap3A_683 = tpu.vector_load %arg8[%swap3A_681, %swap3A_682] {strides = array<i32>} : memref<104x128xf32, #tpu.memory_space<vmem>>, vector<1x16xf32>,
        %swap3A_684 = vector.shape_cast %swap3A_683 : vector<1x16xf32> to vector<16xf32>
        %swap3A_685 = vector.shape_cast %get3A_680 : vector<16xf32> to vector<1x16xf32>
        tpu.vector_store %arg8[%swap3A_681, %swap3A_682], %swap3A_685 {add = true, strides = array<i32>} : memref<104x128xf32, #tpu.memory_space<vmem>>, vector<1x16xf32>,
        %add3A_686 = arith.constant 0 : i32
        %add3A_687 = arith.addi %add3A_686, %add3A_652 : i32
        %get3A_688 = arith.index_cast %add3A_687 : i32 to index
        %get3A_689 = arith.constant 48 : index
        %get3A_690 = tpu.vector_load %arg7[%get3A_688, %get3A_689] {strides = array<i32>} : memref<200x64xf32, #tpu.memory_space<vmem>>, vector<1x16xf32>,
        %get3A_691 = vector.shape_cast %get3A_690 : vector<1x16xf32> to vector<16xf32>
        %swap3A_692 = arith.index_cast %add3A_652 : i32 to index
        %swap3A_693 = arith.constant 48 : index
        %swap3A_694 = tpu.vector_load %arg8[%swap3A_692, %swap3A_693] {strides = array<i32>} : memref<104x128xf32, #tpu.memory_space<vmem>>, vector<1x16xf32>,
        %swap3A_695 = vector.shape_cast %swap3A_694 : vector<1x16xf32> to vector<16xf32>
        %swap3A_696 = vector.shape_cast %get3A_691 : vector<16xf32> to vector<1x16xf32>
        tpu.vector_store %arg8[%swap3A_692, %swap3A_693], %swap3A_696 {add = true, strides = array<i32>} : memref<104x128xf32, #tpu.memory_space<vmem>>, vector<1x16xf32>,
        %scan3A_697 = arith.constant 3 : i32
        %scan3A_698 = arith.addi %scan3A_550, %scan3A_697 : i32
        %mul3A_699 = arith.constant 1 : i32
        %mul3A_700 = arith.muli %scan3A_698, %mul3A_699 : i32
        %add3A_701 = arith.constant 0 : i32
        %add3A_702 = arith.addi %add3A_701, %mul3A_700 : i32
        %add3A_703 = arith.constant 0 : i32
        %add3A_704 = arith.addi %add3A_703, %add3A_702 : i32
        %get3A_705 = arith.index_cast %add3A_704 : i32 to index
        %get3A_706 = arith.constant 0 : index
        %get3A_707 = tpu.vector_load %arg7[%get3A_705, %get3A_706] {strides = array<i32>} : memref<200x64xf32, #tpu.memory_space<vmem>>, vector<1x16xf32>,
        %get3A_708 = vector.shape_cast %get3A_707 : vector<1x16xf32> to vector<16xf32>
        %swap3A_709 = arith.index_cast %add3A_702 : i32 to index
        %swap3A_710 = arith.constant 0 : index
        %swap3A_711 = tpu.vector_load %arg8[%swap3A_709, %swap3A_710] {strides = array<i32>} : memref<104x128xf32, #tpu.memory_space<vmem>>, vector<1x16xf32>,
        %swap3A_712 = vector.shape_cast %swap3A_711 : vector<1x16xf32> to vector<16xf32>
        %swap3A_713 = vector.shape_cast %get3A_708 : vector<16xf32> to vector<1x16xf32>
        tpu.vector_store %arg8[%swap3A_709, %swap3A_710], %swap3A_713 {add = true, strides = array<i32>} : memref<104x128xf32, #tpu.memory_space<vmem>>, vector<1x16xf32>,
        %add3A_714 = arith.constant 0 : i32
        %add3A_715 = arith.addi %add3A_714, %add3A_702 : i32
        %get3A_716 = arith.index_cast %add3A_715 : i32 to index
        %get3A_717 = arith.constant 16 : index
        %get3A_718 = tpu.vector_load %arg7[%get3A_716, %get3A_717] {strides = array<i32>} : memref<200x64xf32, #tpu.memory_space<vmem>>, vector<1x16xf32>,
        %get3A_719 = vector.shape_cast %get3A_718 : vector<1x16xf32> to vector<16xf32>
        %swap3A_720 = arith.index_cast %add3A_702 : i32 to index
        %swap3A_721 = arith.constant 16 : index
        %swap3A_722 = tpu.vector_load %arg8[%swap3A_720, %swap3A_721] {strides = array<i32>} : memref<104x128xf32, #tpu.memory_space<vmem>>, vector<1x16xf32>,
        %swap3A_723 = vector.shape_cast %swap3A_722 : vector<1x16xf32> to vector<16xf32>
        %swap3A_724 = vector.shape_cast %get3A_719 : vector<16xf32> to vector<1x16xf32>
        tpu.vector_store %arg8[%swap3A_720, %swap3A_721], %swap3A_724 {add = true, strides = array<i32>} : memref<104x128xf32, #tpu.memory_space<vmem>>, vector<1x16xf32>,
        %add3A_725 = arith.constant 0 : i32
        %add3A_726 = arith.addi %add3A_725, %add3A_702 : i32
        %get3A_727 = arith.index_cast %add3A_726 : i32 to index
        %get3A_728 = arith.constant 32 : index
        %get3A_729 = tpu.vector_load %arg7[%get3A_727, %get3A_728] {strides = array<i32>} : memref<200x64xf32, #tpu.memory_space<vmem>>, vector<1x16xf32>,
        %get3A_730 = vector.shape_cast %get3A_729 : vector<1x16xf32> to vector<16xf32>
        %swap3A_731 = arith.index_cast %add3A_702 : i32 to index
        %swap3A_732 = arith.constant 32 : index
        %swap3A_733 = tpu.vector_load %arg8[%swap3A_731, %swap3A_732] {strides = array<i32>} : memref<104x128xf32, #tpu.memory_space<vmem>>, vector<1x16xf32>,
        %swap3A_734 = vector.shape_cast %swap3A_733 : vector<1x16xf32> to vector<16xf32>
        %swap3A_735 = vector.shape_cast %get3A_730 : vector<16xf32> to vector<1x16xf32>
        tpu.vector_store %arg8[%swap3A_731, %swap3A_732], %swap3A_735 {add = true, strides = array<i32>} : memref<104x128xf32, #tpu.memory_space<vmem>>, vector<1x16xf32>,
        %add3A_736 = arith.constant 0 : i32
        %add3A_737 = arith.addi %add3A_736, %add3A_702 : i32
        %get3A_738 = arith.index_cast %add3A_737 : i32 to index
        %get3A_739 = arith.constant 48 : index
        %get3A_740 = tpu.vector_load %arg7[%get3A_738, %get3A_739] {strides = array<i32>} : memref<200x64xf32, #tpu.memory_space<vmem>>, vector<1x16xf32>,
        %get3A_741 = vector.shape_cast %get3A_740 : vector<1x16xf32> to vector<16xf32>
        %swap3A_742 = arith.index_cast %add3A_702 : i32 to index
        %swap3A_743 = arith.constant 48 : index
        %swap3A_744 = tpu.vector_load %arg8[%swap3A_742, %swap3A_743] {strides = array<i32>} : memref<104x128xf32, #tpu.memory_space<vmem>>, vector<1x16xf32>,
        %swap3A_745 = vector.shape_cast %swap3A_744 : vector<1x16xf32> to vector<16xf32>
        %swap3A_746 = vector.shape_cast %get3A_741 : vector<16xf32> to vector<1x16xf32>
        tpu.vector_store %arg8[%swap3A_742, %swap3A_743], %swap3A_746 {add = true, strides = array<i32>} : memref<104x128xf32, #tpu.memory_space<vmem>>, vector<1x16xf32>,
      }
      %scan3A_127 = arith.constant 104 : i32
      %jit3A_128 = arith.constant 2 : i32
      %div3A_129 = arith.divsi %add3A_75, %jit3A_128 : i32
      %sign3A_130 = arith.constant 0 : i32
      %sign3A_131 = arith.cmpi sgt, %add3A_75, %sign3A_130 : i32
      %sign3A_132 = arith.extui %sign3A_131 : i1 to i32
      %sign3A_133 = arith.constant 0 : i32
      %sign3A_134 = arith.cmpi slt, %add3A_75, %sign3A_133 : i32
      %sign3A_135 = arith.extui %sign3A_134 : i1 to i32
      %sign3A_136 = arith.subi %sign3A_132, %sign3A_135 : i32
      %sign3A_137 = arith.constant 0 : i32
      %sign3A_138 = arith.cmpi sgt, %jit3A_128, %sign3A_137 : i32
      %sign3A_139 = arith.extui %sign3A_138 : i1 to i32
      %sign3A_140 = arith.constant 0 : i32
      %sign3A_141 = arith.cmpi slt, %jit3A_128, %sign3A_140 : i32
      %sign3A_142 = arith.extui %sign3A_141 : i1 to i32
      %sign3A_143 = arith.subi %sign3A_139, %sign3A_142 : i32
      %ne3A_144 = arith.cmpi ne, %sign3A_136, %sign3A_143 : i32
      %rem3A_145 = arith.remsi %add3A_75, %jit3A_128 : i32
      %ne3A_146 = arith.constant 0 : i32
      %ne3A_147 = arith.cmpi ne, %rem3A_145, %ne3A_146 : i32
      %and3A_148 = arith.andi %ne3A_144, %ne3A_147 : i1
      %sub3A_149 = arith.constant 1 : i32
      %sub3A_150 = arith.subi %div3A_129, %sub3A_149 : i32
      %select_n3A_151 = arith.select %and3A_148, %sub3A_150, %div3A_129 : i32
      %mul3A_152 = arith.constant 200 : i32
      %mul3A_153 = arith.muli %select_n3A_151, %mul3A_152 : i32
      %jit3A_154 = arith.constant 2 : i32
      %eq3A_155 = arith.constant 0 : i32
      %eq3A_156 = arith.cmpi eq, %jit3A_154, %eq3A_155 : i32
      %jit3A_157 = arith.constant 1 : i32
      %select_n3A_158 = arith.select %eq3A_156, %jit3A_157, %jit3A_154 : i32
      %rem3A_159 = arith.remsi %add3A_75, %select_n3A_158 : i32
      %ne3A_160 = arith.constant 0 : i32
      %ne3A_161 = arith.cmpi ne, %rem3A_159, %ne3A_160 : i32
      %lt3A_162 = arith.constant 0 : i32
      %lt3A_163 = arith.cmpi slt, %rem3A_159, %lt3A_162 : i32
      %lt3A_164 = arith.constant 0 : i32
      %lt3A_165 = arith.cmpi slt, %select_n3A_158, %lt3A_164 : i32
      %ne3A_166 = arith.xori %lt3A_163, %lt3A_165 : i1
      %and3A_167 = arith.andi %ne3A_166, %ne3A_161 : i1
      %add3A_168 = arith.addi %rem3A_159, %select_n3A_158 : i32
      %select_n3A_169 = arith.select %and3A_167, %add3A_168, %rem3A_159 : i32
      %mul3A_170 = arith.constant 104 : i32
      %mul3A_171 = arith.muli %select_n3A_169, %mul3A_170 : i32
      %add3A_172 = arith.addi %mul3A_153, %mul3A_171 : i32
      %add3A_173 = arith.addi %mul3A_2, %add3A_172 : i32
      %dma_start3A_174 = arith.constant 0 : i32
      %dma_start3A_175 = arith.constant 0 : i32
      %dma_start3A_176 = tpu.memref_slice %arg8[%dma_start3A_174, %dma_start3A_175] : memref<104x128xf32, #tpu.memory_space<vmem>> -> memref<104x128xf32, #tpu.memory_space<vmem>>
      %dma_start3A_177 = arith.constant 0 : i32
      %dma_start3A_178 = tpu.memref_slice %arg5[%add3A_173, %dma_start3A_177] : memref<819200x128xf32, #tpu.memory_space<hbm>> -> memref<104x128xf32, #tpu.memory_space<hbm>>
      %dma_start3A_179 = arith.constant 0 : i32
      %dma_start3A_180 = tpu.memref_slice %arg5[%add3A_173, %dma_start3A_179] : memref<819200x128xf32, #tpu.memory_space<hbm>> -> memref<104x128xf32, #tpu.memory_space<hbm>>
      %dma_start3A_181 = arith.constant 0 : i32
      %dma_start3A_182 = arith.constant 0 : i32
      %dma_start3A_183 = tpu.memref_slice %arg8[%dma_start3A_181, %dma_start3A_182] : memref<104x128xf32, #tpu.memory_space<vmem>> -> memref<104x128xf32, #tpu.memory_space<vmem>>
      tpu.enqueue_dma source(%dma_start3A_183 : memref<104x128xf32, #tpu.memory_space<vmem>>) target(%dma_start3A_180 : memref<104x128xf32, #tpu.memory_space<hbm>>) target_semaphore(%arg16 : memref<!tpu.dma_semaphore, #tpu.memory_space<semaphore_mem>>)
      %add3A_184 = arith.constant 1 : i32
      %add3A_185 = arith.addi %add3A_73, %add3A_184 : i32
      %jit3A_186 = arith.constant 2 : i32
      %div3A_187 = arith.divsi %add3A_185, %jit3A_186 : i32
      %sign3A_188 = arith.constant 0 : i32
      %sign3A_189 = arith.cmpi sgt, %add3A_185, %sign3A_188 : i32
      %sign3A_190 = arith.extui %sign3A_189 : i1 to i32
      %sign3A_191 = arith.constant 0 : i32
      %sign3A_192 = arith.cmpi slt, %add3A_185, %sign3A_191 : i32
      %sign3A_193 = arith.extui %sign3A_192 : i1 to i32
      %sign3A_194 = arith.subi %sign3A_190, %sign3A_193 : i32
      %sign3A_195 = arith.constant 0 : i32
      %sign3A_196 = arith.cmpi sgt, %jit3A_186, %sign3A_195 : i32
      %sign3A_197 = arith.extui %sign3A_196 : i1 to i32
      %sign3A_198 = arith.constant 0 : i32
      %sign3A_199 = arith.cmpi slt, %jit3A_186, %sign3A_198 : i32
      %sign3A_200 = arith.extui %sign3A_199 : i1 to i32
      %sign3A_201 = arith.subi %sign3A_197, %sign3A_200 : i32
      %ne3A_202 = arith.cmpi ne, %sign3A_194, %sign3A_201 : i32
      %rem3A_203 = arith.remsi %add3A_185, %jit3A_186 : i32
      %ne3A_204 = arith.constant 0 : i32
      %ne3A_205 = arith.cmpi ne, %rem3A_203, %ne3A_204 : i32
      %and3A_206 = arith.andi %ne3A_202, %ne3A_205 : i1
      %sub3A_207 = arith.constant 1 : i32
      %sub3A_208 = arith.subi %div3A_187, %sub3A_207 : i32
      %select_n3A_209 = arith.select %and3A_206, %sub3A_208, %div3A_187 : i32
      %mul3A_210 = arith.constant 200 : i32
      %mul3A_211 = arith.muli %select_n3A_209, %mul3A_210 : i32
      %jit3A_212 = arith.constant 2 : i32
      %eq3A_213 = arith.constant 0 : i32
      %eq3A_214 = arith.cmpi eq, %jit3A_212, %eq3A_213 : i32
      %jit3A_215 = arith.constant 1 : i32
      %select_n3A_216 = arith.select %eq3A_214, %jit3A_215, %jit3A_212 : i32
      %rem3A_217 = arith.remsi %add3A_185, %select_n3A_216 : i32
      %ne3A_218 = arith.constant 0 : i32
      %ne3A_219 = arith.cmpi ne, %rem3A_217, %ne3A_218 : i32
      %lt3A_220 = arith.constant 0 : i32
      %lt3A_221 = arith.cmpi slt, %rem3A_217, %lt3A_220 : i32
      %lt3A_222 = arith.constant 0 : i32
      %lt3A_223 = arith.cmpi slt, %select_n3A_216, %lt3A_222 : i32
      %ne3A_224 = arith.xori %lt3A_221, %lt3A_223 : i1
      %and3A_225 = arith.andi %ne3A_224, %ne3A_219 : i1
      %add3A_226 = arith.addi %rem3A_217, %select_n3A_216 : i32
      %select_n3A_227 = arith.select %and3A_225, %add3A_226, %rem3A_217 : i32
      %mul3A_228 = arith.constant 104 : i32
      %mul3A_229 = arith.muli %select_n3A_227, %mul3A_228 : i32
      %add3A_230 = arith.addi %mul3A_211, %mul3A_229 : i32
      %dma_wait3A_231 = arith.constant 0 : i32
      %dma_wait3A_232 = arith.constant 0 : i32
      %dma_wait3A_233 = tpu.memref_slice %arg9[%dma_wait3A_231, %dma_wait3A_232] : memref<104x128xf32, #tpu.memory_space<vmem>> -> memref<96x128xf32, #tpu.memory_space<vmem>>
      %dma_wait3A_234 = tpu.memref_slice %arg6[%add3A_230] : memref<25600xi32, #tpu.memory_space<vmem>> -> memref<96xi32, #tpu.memory_space<vmem>>
      %dma_wait3A_235 = arith.constant 0 : i32
      %dma_wait3A_236 = arith.constant 0 : i32
      %dma_wait3A_237 = tpu.memref_slice %arg3[%dma_wait3A_235, %dma_wait3A_236] : memref<1000000x128xf32, #tpu.memory_space<hbm>> -> memref<1000000x128xf32, #tpu.memory_space<hbm>>
      tpu.wait_indirect_dma semaphore(%arg13 : memref<!tpu.dma_semaphore, #tpu.memory_space<semaphore_mem>>) src(%dma_wait3A_237 : memref<1000000x128xf32, #tpu.memory_space<hbm>>) dst(%dma_wait3A_233 : memref<96x128xf32, #tpu.memory_space<vmem>>)
      %add3A_238 = arith.constant 2 : i32
      %add3A_239 = arith.addi %add3A_185, %add3A_238 : i32
      %lt3A_240 = arith.constant 256 : i32
      %lt3A_241 = arith.cmpi slt, %add3A_239, %lt3A_240 : i32
      %convert_element_type3A_242 = arith.extui %lt3A_241 : i1 to i32
      %cond3A_243 = arith.constant 0 : i32
      %cond3A_244 = arith.cmpi ne, %convert_element_type3A_242, %cond3A_243 : i32
      scf.if %cond3A_244 {
        %ge3A = arith.constant 2 : i32
        %ge3A_550 = arith.cmpi sge, %add3A_185, %ge3A : i32
        %convert_element_type3A_551 = arith.extui %ge3A_550 : i1 to i32
        %cond3A_552 = arith.constant 0 : i32
        %cond3A_553 = arith.cmpi ne, %convert_element_type3A_551, %cond3A_552 : i32
        scf.if %cond3A_553 {
          %sub3A_608 = arith.constant 2 : i32
          %sub3A_609 = arith.subi %add3A_185, %sub3A_608 : i32
          %jit3A_610 = arith.constant 2 : i32
          %div3A_611 = arith.divsi %sub3A_609, %jit3A_610 : i32
          %sign3A_612 = arith.constant 0 : i32
          %sign3A_613 = arith.cmpi sgt, %sub3A_609, %sign3A_612 : i32
          %sign3A_614 = arith.extui %sign3A_613 : i1 to i32
          %sign3A_615 = arith.constant 0 : i32
          %sign3A_616 = arith.cmpi slt, %sub3A_609, %sign3A_615 : i32
          %sign3A_617 = arith.extui %sign3A_616 : i1 to i32
          %sign3A_618 = arith.subi %sign3A_614, %sign3A_617 : i32
          %sign3A_619 = arith.constant 0 : i32
          %sign3A_620 = arith.cmpi sgt, %jit3A_610, %sign3A_619 : i32
          %sign3A_621 = arith.extui %sign3A_620 : i1 to i32
          %sign3A_622 = arith.constant 0 : i32
          %sign3A_623 = arith.cmpi slt, %jit3A_610, %sign3A_622 : i32
          %sign3A_624 = arith.extui %sign3A_623 : i1 to i32
          %sign3A_625 = arith.subi %sign3A_621, %sign3A_624 : i32
          %ne3A_626 = arith.cmpi ne, %sign3A_618, %sign3A_625 : i32
          %rem3A_627 = arith.remsi %sub3A_609, %jit3A_610 : i32
          %ne3A_628 = arith.constant 0 : i32
          %ne3A_629 = arith.cmpi ne, %rem3A_627, %ne3A_628 : i32
          %and3A_630 = arith.andi %ne3A_626, %ne3A_629 : i1
          %sub3A_631 = arith.constant 1 : i32
          %sub3A_632 = arith.subi %div3A_611, %sub3A_631 : i32
          %select_n3A_633 = arith.select %and3A_630, %sub3A_632, %div3A_611 : i32
          %mul3A_634 = arith.constant 200 : i32
          %mul3A_635 = arith.muli %select_n3A_633, %mul3A_634 : i32
          %jit3A_636 = arith.constant 2 : i32
          %eq3A_637 = arith.constant 0 : i32
          %eq3A_638 = arith.cmpi eq, %jit3A_636, %eq3A_637 : i32
          %jit3A_639 = arith.constant 1 : i32
          %select_n3A_640 = arith.select %eq3A_638, %jit3A_639, %jit3A_636 : i32
          %rem3A_641 = arith.remsi %sub3A_609, %select_n3A_640 : i32
          %ne3A_642 = arith.constant 0 : i32
          %ne3A_643 = arith.cmpi ne, %rem3A_641, %ne3A_642 : i32
          %lt3A_644 = arith.constant 0 : i32
          %lt3A_645 = arith.cmpi slt, %rem3A_641, %lt3A_644 : i32
          %lt3A_646 = arith.constant 0 : i32
          %lt3A_647 = arith.cmpi slt, %select_n3A_640, %lt3A_646 : i32
          %ne3A_648 = arith.xori %lt3A_645, %lt3A_647 : i1
          %and3A_649 = arith.andi %ne3A_648, %ne3A_643 : i1
          %add3A_650 = arith.addi %rem3A_641, %select_n3A_640 : i32
          %select_n3A_651 = arith.select %and3A_649, %add3A_650, %rem3A_641 : i32
          %mul3A_652 = arith.constant 104 : i32
          %mul3A_653 = arith.muli %select_n3A_651, %mul3A_652 : i32
          %add3A_654 = arith.addi %mul3A_635, %mul3A_653 : i32
          %add3A_655 = arith.addi %mul3A_2, %add3A_654 : i32
          %dma_wait3A_656 = arith.constant 0 : i32
          %dma_wait3A_657 = arith.constant 0 : i32
          %dma_wait3A_658 = tpu.memref_slice %arg11[%dma_wait3A_656, %dma_wait3A_657] : memref<104x128xf32, #tpu.memory_space<vmem>> -> memref<96x128xf32, #tpu.memory_space<vmem>>
          %dma_wait3A_659 = arith.constant 0 : i32
          %dma_wait3A_660 = tpu.memref_slice %arg5[%add3A_655, %dma_wait3A_659] : memref<819200x128xf32, #tpu.memory_space<hbm>> -> memref<96x128xf32, #tpu.memory_space<hbm>>
          %dma_wait3A_661 = arith.constant 0 : i32
          %dma_wait3A_662 = tpu.memref_slice %arg5[%add3A_655, %dma_wait3A_661] : memref<819200x128xf32, #tpu.memory_space<hbm>> -> memref<96x128xf32, #tpu.memory_space<hbm>>
          %dma_wait3A_663 = arith.constant 0 : i32
          %dma_wait3A_664 = arith.constant 0 : i32
          %dma_wait3A_665 = tpu.memref_slice %arg11[%dma_wait3A_663, %dma_wait3A_664] : memref<104x128xf32, #tpu.memory_space<vmem>> -> memref<96x128xf32, #tpu.memory_space<vmem>>
          tpu.wait_dma2 semaphore(%arg19 : memref<!tpu.dma_semaphore, #tpu.memory_space<semaphore_mem>>) src(%dma_wait3A_665 : memref<96x128xf32, #tpu.memory_space<vmem>>) dst(%dma_wait3A_662 : memref<96x128xf32, #tpu.memory_space<hbm>>)
        } else {
        }
        %add3A_554 = arith.constant 2 : i32
        %add3A_555 = arith.addi %add3A_185, %add3A_554 : i32
        %jit3A_556 = arith.constant 2 : i32
        %div3A_557 = arith.divsi %add3A_555, %jit3A_556 : i32
        %sign3A_558 = arith.constant 0 : i32
        %sign3A_559 = arith.cmpi sgt, %add3A_555, %sign3A_558 : i32
        %sign3A_560 = arith.extui %sign3A_559 : i1 to i32
        %sign3A_561 = arith.constant 0 : i32
        %sign3A_562 = arith.cmpi slt, %add3A_555, %sign3A_561 : i32
        %sign3A_563 = arith.extui %sign3A_562 : i1 to i32
        %sign3A_564 = arith.subi %sign3A_560, %sign3A_563 : i32
        %sign3A_565 = arith.constant 0 : i32
        %sign3A_566 = arith.cmpi sgt, %jit3A_556, %sign3A_565 : i32
        %sign3A_567 = arith.extui %sign3A_566 : i1 to i32
        %sign3A_568 = arith.constant 0 : i32
        %sign3A_569 = arith.cmpi slt, %jit3A_556, %sign3A_568 : i32
        %sign3A_570 = arith.extui %sign3A_569 : i1 to i32
        %sign3A_571 = arith.subi %sign3A_567, %sign3A_570 : i32
        %ne3A_572 = arith.cmpi ne, %sign3A_564, %sign3A_571 : i32
        %rem3A_573 = arith.remsi %add3A_555, %jit3A_556 : i32
        %ne3A_574 = arith.constant 0 : i32
        %ne3A_575 = arith.cmpi ne, %rem3A_573, %ne3A_574 : i32
        %and3A_576 = arith.andi %ne3A_572, %ne3A_575 : i1
        %sub3A_577 = arith.constant 1 : i32
        %sub3A_578 = arith.subi %div3A_557, %sub3A_577 : i32
        %select_n3A_579 = arith.select %and3A_576, %sub3A_578, %div3A_557 : i32
        %mul3A_580 = arith.constant 200 : i32
        %mul3A_581 = arith.muli %select_n3A_579, %mul3A_580 : i32
        %jit3A_582 = arith.constant 2 : i32
        %eq3A_583 = arith.constant 0 : i32
        %eq3A_584 = arith.cmpi eq, %jit3A_582, %eq3A_583 : i32
        %jit3A_585 = arith.constant 1 : i32
        %select_n3A_586 = arith.select %eq3A_584, %jit3A_585, %jit3A_582 : i32
        %rem3A_587 = arith.remsi %add3A_555, %select_n3A_586 : i32
        %ne3A_588 = arith.constant 0 : i32
        %ne3A_589 = arith.cmpi ne, %rem3A_587, %ne3A_588 : i32
        %lt3A_590 = arith.constant 0 : i32
        %lt3A_591 = arith.cmpi slt, %rem3A_587, %lt3A_590 : i32
        %lt3A_592 = arith.constant 0 : i32
        %lt3A_593 = arith.cmpi slt, %select_n3A_586, %lt3A_592 : i32
        %ne3A_594 = arith.xori %lt3A_591, %lt3A_593 : i1
        %and3A_595 = arith.andi %ne3A_594, %ne3A_589 : i1
        %add3A_596 = arith.addi %rem3A_587, %select_n3A_586 : i32
        %select_n3A_597 = arith.select %and3A_595, %add3A_596, %rem3A_587 : i32
        %mul3A_598 = arith.constant 104 : i32
        %mul3A_599 = arith.muli %select_n3A_597, %mul3A_598 : i32
        %add3A_600 = arith.addi %mul3A_581, %mul3A_599 : i32
        %dma_start3A_601 = arith.constant 0 : i32
        %dma_start3A_602 = arith.constant 0 : i32
        %dma_start3A_603 = tpu.memref_slice %arg11[%dma_start3A_601, %dma_start3A_602] : memref<104x128xf32, #tpu.memory_space<vmem>> -> memref<96x128xf32, #tpu.memory_space<vmem>>
        %dma_start3A_604 = tpu.memref_slice %arg6[%add3A_600] : memref<25600xi32, #tpu.memory_space<vmem>> -> memref<96xi32, #tpu.memory_space<vmem>>
        %dma_start3A_605 = arith.constant 0 : i32
        %dma_start3A_606 = arith.constant 0 : i32
        %dma_start3A_607 = tpu.memref_slice %arg3[%dma_start3A_605, %dma_start3A_606] : memref<1000000x128xf32, #tpu.memory_space<hbm>> -> memref<1000000x128xf32, #tpu.memory_space<hbm>>
        tpu.enqueue_indirect_dma source(%dma_start3A_607 : memref<1000000x128xf32, #tpu.memory_space<hbm>>) target(%dma_start3A_603 : memref<96x128xf32, #tpu.memory_space<vmem>>) offsets(%dma_start3A_604 : memref<96xi32, #tpu.memory_space<vmem>>) semaphore(%arg15 : memref<!tpu.dma_semaphore, #tpu.memory_space<semaphore_mem>>)
      } else {
      }
      %scan3A_245 = arith.constant 0 : i32
      %scan3A_246 = arith.constant 96 : i32
      %scan3A_247 = arith.addi %scan3A_245, %scan3A_246 : i32
      %scan3A_248 = arith.constant 4 : i32
      scf.for %scan3A_550 = %scan3A_245 to %scan3A_247 step %scan3A_248  : i32 {
        %mul3A_551 = arith.constant 1 : i32
        %mul3A_552 = arith.muli %scan3A_550, %mul3A_551 : i32
        %add3A_553 = arith.constant 0 : i32
        %add3A_554 = arith.addi %add3A_553, %mul3A_552 : i32
        %add3A_555 = arith.constant 104 : i32
        %add3A_556 = arith.addi %add3A_555, %add3A_554 : i32
        %get3A = arith.index_cast %add3A_556 : i32 to index
        %get3A_557 = arith.constant 0 : index
        %get3A_558 = tpu.vector_load %arg7[%get3A, %get3A_557] {strides = array<i32>} : memref<200x64xf32, #tpu.memory_space<vmem>>, vector<1x16xf32>,
        %get3A_559 = vector.shape_cast %get3A_558 : vector<1x16xf32> to vector<16xf32>
        %swap3A = arith.index_cast %add3A_554 : i32 to index
        %swap3A_560 = arith.constant 0 : index
        %swap3A_561 = tpu.vector_load %arg9[%swap3A, %swap3A_560] {strides = array<i32>} : memref<104x128xf32, #tpu.memory_space<vmem>>, vector<1x16xf32>,
        %swap3A_562 = vector.shape_cast %swap3A_561 : vector<1x16xf32> to vector<16xf32>
        %swap3A_563 = vector.shape_cast %get3A_559 : vector<16xf32> to vector<1x16xf32>
        tpu.vector_store %arg9[%swap3A, %swap3A_560], %swap3A_563 {add = true, strides = array<i32>} : memref<104x128xf32, #tpu.memory_space<vmem>>, vector<1x16xf32>,
        %add3A_564 = arith.constant 104 : i32
        %add3A_565 = arith.addi %add3A_564, %add3A_554 : i32
        %get3A_566 = arith.index_cast %add3A_565 : i32 to index
        %get3A_567 = arith.constant 16 : index
        %get3A_568 = tpu.vector_load %arg7[%get3A_566, %get3A_567] {strides = array<i32>} : memref<200x64xf32, #tpu.memory_space<vmem>>, vector<1x16xf32>,
        %get3A_569 = vector.shape_cast %get3A_568 : vector<1x16xf32> to vector<16xf32>
        %swap3A_570 = arith.index_cast %add3A_554 : i32 to index
        %swap3A_571 = arith.constant 16 : index
        %swap3A_572 = tpu.vector_load %arg9[%swap3A_570, %swap3A_571] {strides = array<i32>} : memref<104x128xf32, #tpu.memory_space<vmem>>, vector<1x16xf32>,
        %swap3A_573 = vector.shape_cast %swap3A_572 : vector<1x16xf32> to vector<16xf32>
        %swap3A_574 = vector.shape_cast %get3A_569 : vector<16xf32> to vector<1x16xf32>
        tpu.vector_store %arg9[%swap3A_570, %swap3A_571], %swap3A_574 {add = true, strides = array<i32>} : memref<104x128xf32, #tpu.memory_space<vmem>>, vector<1x16xf32>,
        %add3A_575 = arith.constant 104 : i32
        %add3A_576 = arith.addi %add3A_575, %add3A_554 : i32
        %get3A_577 = arith.index_cast %add3A_576 : i32 to index
        %get3A_578 = arith.constant 32 : index
        %get3A_579 = tpu.vector_load %arg7[%get3A_577, %get3A_578] {strides = array<i32>} : memref<200x64xf32, #tpu.memory_space<vmem>>, vector<1x16xf32>,
        %get3A_580 = vector.shape_cast %get3A_579 : vector<1x16xf32> to vector<16xf32>
        %swap3A_581 = arith.index_cast %add3A_554 : i32 to index
        %swap3A_582 = arith.constant 32 : index
        %swap3A_583 = tpu.vector_load %arg9[%swap3A_581, %swap3A_582] {strides = array<i32>} : memref<104x128xf32, #tpu.memory_space<vmem>>, vector<1x16xf32>,
        %swap3A_584 = vector.shape_cast %swap3A_583 : vector<1x16xf32> to vector<16xf32>
        %swap3A_585 = vector.shape_cast %get3A_580 : vector<16xf32> to vector<1x16xf32>
        tpu.vector_store %arg9[%swap3A_581, %swap3A_582], %swap3A_585 {add = true, strides = array<i32>} : memref<104x128xf32, #tpu.memory_space<vmem>>, vector<1x16xf32>,
        %add3A_586 = arith.constant 104 : i32
        %add3A_587 = arith.addi %add3A_586, %add3A_554 : i32
        %get3A_588 = arith.index_cast %add3A_587 : i32 to index
        %get3A_589 = arith.constant 48 : index
        %get3A_590 = tpu.vector_load %arg7[%get3A_588, %get3A_589] {strides = array<i32>} : memref<200x64xf32, #tpu.memory_space<vmem>>, vector<1x16xf32>,
        %get3A_591 = vector.shape_cast %get3A_590 : vector<1x16xf32> to vector<16xf32>
        %swap3A_592 = arith.index_cast %add3A_554 : i32 to index
        %swap3A_593 = arith.constant 48 : index
        %swap3A_594 = tpu.vector_load %arg9[%swap3A_592, %swap3A_593] {strides = array<i32>} : memref<104x128xf32, #tpu.memory_space<vmem>>, vector<1x16xf32>,
        %swap3A_595 = vector.shape_cast %swap3A_594 : vector<1x16xf32> to vector<16xf32>
        %swap3A_596 = vector.shape_cast %get3A_591 : vector<16xf32> to vector<1x16xf32>
        tpu.vector_store %arg9[%swap3A_592, %swap3A_593], %swap3A_596 {add = true, strides = array<i32>} : memref<104x128xf32, #tpu.memory_space<vmem>>, vector<1x16xf32>,
        %scan3A_597 = arith.constant 1 : i32
        %scan3A_598 = arith.addi %scan3A_550, %scan3A_597 : i32
        %mul3A_599 = arith.constant 1 : i32
        %mul3A_600 = arith.muli %scan3A_598, %mul3A_599 : i32
        %add3A_601 = arith.constant 0 : i32
        %add3A_602 = arith.addi %add3A_601, %mul3A_600 : i32
        %add3A_603 = arith.constant 104 : i32
        %add3A_604 = arith.addi %add3A_603, %add3A_602 : i32
        %get3A_605 = arith.index_cast %add3A_604 : i32 to index
        %get3A_606 = arith.constant 0 : index
        %get3A_607 = tpu.vector_load %arg7[%get3A_605, %get3A_606] {strides = array<i32>} : memref<200x64xf32, #tpu.memory_space<vmem>>, vector<1x16xf32>,
        %get3A_608 = vector.shape_cast %get3A_607 : vector<1x16xf32> to vector<16xf32>
        %swap3A_609 = arith.index_cast %add3A_602 : i32 to index
        %swap3A_610 = arith.constant 0 : index
        %swap3A_611 = tpu.vector_load %arg9[%swap3A_609, %swap3A_610] {strides = array<i32>} : memref<104x128xf32, #tpu.memory_space<vmem>>, vector<1x16xf32>,
        %swap3A_612 = vector.shape_cast %swap3A_611 : vector<1x16xf32> to vector<16xf32>
        %swap3A_613 = vector.shape_cast %get3A_608 : vector<16xf32> to vector<1x16xf32>
        tpu.vector_store %arg9[%swap3A_609, %swap3A_610], %swap3A_613 {add = true, strides = array<i32>} : memref<104x128xf32, #tpu.memory_space<vmem>>, vector<1x16xf32>,
        %add3A_614 = arith.constant 104 : i32
        %add3A_615 = arith.addi %add3A_614, %add3A_602 : i32
        %get3A_616 = arith.index_cast %add3A_615 : i32 to index
        %get3A_617 = arith.constant 16 : index
        %get3A_618 = tpu.vector_load %arg7[%get3A_616, %get3A_617] {strides = array<i32>} : memref<200x64xf32, #tpu.memory_space<vmem>>, vector<1x16xf32>,
        %get3A_619 = vector.shape_cast %get3A_618 : vector<1x16xf32> to vector<16xf32>
        %swap3A_620 = arith.index_cast %add3A_602 : i32 to index
        %swap3A_621 = arith.constant 16 : index
        %swap3A_622 = tpu.vector_load %arg9[%swap3A_620, %swap3A_621] {strides = array<i32>} : memref<104x128xf32, #tpu.memory_space<vmem>>, vector<1x16xf32>,
        %swap3A_623 = vector.shape_cast %swap3A_622 : vector<1x16xf32> to vector<16xf32>
        %swap3A_624 = vector.shape_cast %get3A_619 : vector<16xf32> to vector<1x16xf32>
        tpu.vector_store %arg9[%swap3A_620, %swap3A_621], %swap3A_624 {add = true, strides = array<i32>} : memref<104x128xf32, #tpu.memory_space<vmem>>, vector<1x16xf32>,
        %add3A_625 = arith.constant 104 : i32
        %add3A_626 = arith.addi %add3A_625, %add3A_602 : i32
        %get3A_627 = arith.index_cast %add3A_626 : i32 to index
        %get3A_628 = arith.constant 32 : index
        %get3A_629 = tpu.vector_load %arg7[%get3A_627, %get3A_628] {strides = array<i32>} : memref<200x64xf32, #tpu.memory_space<vmem>>, vector<1x16xf32>,
        %get3A_630 = vector.shape_cast %get3A_629 : vector<1x16xf32> to vector<16xf32>
        %swap3A_631 = arith.index_cast %add3A_602 : i32 to index
        %swap3A_632 = arith.constant 32 : index
        %swap3A_633 = tpu.vector_load %arg9[%swap3A_631, %swap3A_632] {strides = array<i32>} : memref<104x128xf32, #tpu.memory_space<vmem>>, vector<1x16xf32>,
        %swap3A_634 = vector.shape_cast %swap3A_633 : vector<1x16xf32> to vector<16xf32>
        %swap3A_635 = vector.shape_cast %get3A_630 : vector<16xf32> to vector<1x16xf32>
        tpu.vector_store %arg9[%swap3A_631, %swap3A_632], %swap3A_635 {add = true, strides = array<i32>} : memref<104x128xf32, #tpu.memory_space<vmem>>, vector<1x16xf32>,
        %add3A_636 = arith.constant 104 : i32
        %add3A_637 = arith.addi %add3A_636, %add3A_602 : i32
        %get3A_638 = arith.index_cast %add3A_637 : i32 to index
        %get3A_639 = arith.constant 48 : index
        %get3A_640 = tpu.vector_load %arg7[%get3A_638, %get3A_639] {strides = array<i32>} : memref<200x64xf32, #tpu.memory_space<vmem>>, vector<1x16xf32>,
        %get3A_641 = vector.shape_cast %get3A_640 : vector<1x16xf32> to vector<16xf32>
        %swap3A_642 = arith.index_cast %add3A_602 : i32 to index
        %swap3A_643 = arith.constant 48 : index
        %swap3A_644 = tpu.vector_load %arg9[%swap3A_642, %swap3A_643] {strides = array<i32>} : memref<104x128xf32, #tpu.memory_space<vmem>>, vector<1x16xf32>,
        %swap3A_645 = vector.shape_cast %swap3A_644 : vector<1x16xf32> to vector<16xf32>
        %swap3A_646 = vector.shape_cast %get3A_641 : vector<16xf32> to vector<1x16xf32>
        tpu.vector_store %arg9[%swap3A_642, %swap3A_643], %swap3A_646 {add = true, strides = array<i32>} : memref<104x128xf32, #tpu.memory_space<vmem>>, vector<1x16xf32>,
        %scan3A_647 = arith.constant 2 : i32
        %scan3A_648 = arith.addi %scan3A_550, %scan3A_647 : i32
        %mul3A_649 = arith.constant 1 : i32
        %mul3A_650 = arith.muli %scan3A_648, %mul3A_649 : i32
        %add3A_651 = arith.constant 0 : i32
        %add3A_652 = arith.addi %add3A_651, %mul3A_650 : i32
        %add3A_653 = arith.constant 104 : i32
        %add3A_654 = arith.addi %add3A_653, %add3A_652 : i32
        %get3A_655 = arith.index_cast %add3A_654 : i32 to index
        %get3A_656 = arith.constant 0 : index
        %get3A_657 = tpu.vector_load %arg7[%get3A_655, %get3A_656] {strides = array<i32>} : memref<200x64xf32, #tpu.memory_space<vmem>>, vector<1x16xf32>,
        %get3A_658 = vector.shape_cast %get3A_657 : vector<1x16xf32> to vector<16xf32>
        %swap3A_659 = arith.index_cast %add3A_652 : i32 to index
        %swap3A_660 = arith.constant 0 : index
        %swap3A_661 = tpu.vector_load %arg9[%swap3A_659, %swap3A_660] {strides = array<i32>} : memref<104x128xf32, #tpu.memory_space<vmem>>, vector<1x16xf32>,
        %swap3A_662 = vector.shape_cast %swap3A_661 : vector<1x16xf32> to vector<16xf32>
        %swap3A_663 = vector.shape_cast %get3A_658 : vector<16xf32> to vector<1x16xf32>
        tpu.vector_store %arg9[%swap3A_659, %swap3A_660], %swap3A_663 {add = true, strides = array<i32>} : memref<104x128xf32, #tpu.memory_space<vmem>>, vector<1x16xf32>,
        %add3A_664 = arith.constant 104 : i32
        %add3A_665 = arith.addi %add3A_664, %add3A_652 : i32
        %get3A_666 = arith.index_cast %add3A_665 : i32 to index
        %get3A_667 = arith.constant 16 : index
        %get3A_668 = tpu.vector_load %arg7[%get3A_666, %get3A_667] {strides = array<i32>} : memref<200x64xf32, #tpu.memory_space<vmem>>, vector<1x16xf32>,
        %get3A_669 = vector.shape_cast %get3A_668 : vector<1x16xf32> to vector<16xf32>
        %swap3A_670 = arith.index_cast %add3A_652 : i32 to index
        %swap3A_671 = arith.constant 16 : index
        %swap3A_672 = tpu.vector_load %arg9[%swap3A_670, %swap3A_671] {strides = array<i32>} : memref<104x128xf32, #tpu.memory_space<vmem>>, vector<1x16xf32>,
        %swap3A_673 = vector.shape_cast %swap3A_672 : vector<1x16xf32> to vector<16xf32>
        %swap3A_674 = vector.shape_cast %get3A_669 : vector<16xf32> to vector<1x16xf32>
        tpu.vector_store %arg9[%swap3A_670, %swap3A_671], %swap3A_674 {add = true, strides = array<i32>} : memref<104x128xf32, #tpu.memory_space<vmem>>, vector<1x16xf32>,
        %add3A_675 = arith.constant 104 : i32
        %add3A_676 = arith.addi %add3A_675, %add3A_652 : i32
        %get3A_677 = arith.index_cast %add3A_676 : i32 to index
        %get3A_678 = arith.constant 32 : index
        %get3A_679 = tpu.vector_load %arg7[%get3A_677, %get3A_678] {strides = array<i32>} : memref<200x64xf32, #tpu.memory_space<vmem>>, vector<1x16xf32>,
        %get3A_680 = vector.shape_cast %get3A_679 : vector<1x16xf32> to vector<16xf32>
        %swap3A_681 = arith.index_cast %add3A_652 : i32 to index
        %swap3A_682 = arith.constant 32 : index
        %swap3A_683 = tpu.vector_load %arg9[%swap3A_681, %swap3A_682] {strides = array<i32>} : memref<104x128xf32, #tpu.memory_space<vmem>>, vector<1x16xf32>,
        %swap3A_684 = vector.shape_cast %swap3A_683 : vector<1x16xf32> to vector<16xf32>
        %swap3A_685 = vector.shape_cast %get3A_680 : vector<16xf32> to vector<1x16xf32>
        tpu.vector_store %arg9[%swap3A_681, %swap3A_682], %swap3A_685 {add = true, strides = array<i32>} : memref<104x128xf32, #tpu.memory_space<vmem>>, vector<1x16xf32>,
        %add3A_686 = arith.constant 104 : i32
        %add3A_687 = arith.addi %add3A_686, %add3A_652 : i32
        %get3A_688 = arith.index_cast %add3A_687 : i32 to index
        %get3A_689 = arith.constant 48 : index
        %get3A_690 = tpu.vector_load %arg7[%get3A_688, %get3A_689] {strides = array<i32>} : memref<200x64xf32, #tpu.memory_space<vmem>>, vector<1x16xf32>,
        %get3A_691 = vector.shape_cast %get3A_690 : vector<1x16xf32> to vector<16xf32>
        %swap3A_692 = arith.index_cast %add3A_652 : i32 to index
        %swap3A_693 = arith.constant 48 : index
        %swap3A_694 = tpu.vector_load %arg9[%swap3A_692, %swap3A_693] {strides = array<i32>} : memref<104x128xf32, #tpu.memory_space<vmem>>, vector<1x16xf32>,
        %swap3A_695 = vector.shape_cast %swap3A_694 : vector<1x16xf32> to vector<16xf32>
        %swap3A_696 = vector.shape_cast %get3A_691 : vector<16xf32> to vector<1x16xf32>
        tpu.vector_store %arg9[%swap3A_692, %swap3A_693], %swap3A_696 {add = true, strides = array<i32>} : memref<104x128xf32, #tpu.memory_space<vmem>>, vector<1x16xf32>,
        %scan3A_697 = arith.constant 3 : i32
        %scan3A_698 = arith.addi %scan3A_550, %scan3A_697 : i32
        %mul3A_699 = arith.constant 1 : i32
        %mul3A_700 = arith.muli %scan3A_698, %mul3A_699 : i32
        %add3A_701 = arith.constant 0 : i32
        %add3A_702 = arith.addi %add3A_701, %mul3A_700 : i32
        %add3A_703 = arith.constant 104 : i32
        %add3A_704 = arith.addi %add3A_703, %add3A_702 : i32
        %get3A_705 = arith.index_cast %add3A_704 : i32 to index
        %get3A_706 = arith.constant 0 : index
        %get3A_707 = tpu.vector_load %arg7[%get3A_705, %get3A_706] {strides = array<i32>} : memref<200x64xf32, #tpu.memory_space<vmem>>, vector<1x16xf32>,
        %get3A_708 = vector.shape_cast %get3A_707 : vector<1x16xf32> to vector<16xf32>
        %swap3A_709 = arith.index_cast %add3A_702 : i32 to index
        %swap3A_710 = arith.constant 0 : index
        %swap3A_711 = tpu.vector_load %arg9[%swap3A_709, %swap3A_710] {strides = array<i32>} : memref<104x128xf32, #tpu.memory_space<vmem>>, vector<1x16xf32>,
        %swap3A_712 = vector.shape_cast %swap3A_711 : vector<1x16xf32> to vector<16xf32>
        %swap3A_713 = vector.shape_cast %get3A_708 : vector<16xf32> to vector<1x16xf32>
        tpu.vector_store %arg9[%swap3A_709, %swap3A_710], %swap3A_713 {add = true, strides = array<i32>} : memref<104x128xf32, #tpu.memory_space<vmem>>, vector<1x16xf32>,
        %add3A_714 = arith.constant 104 : i32
        %add3A_715 = arith.addi %add3A_714, %add3A_702 : i32
        %get3A_716 = arith.index_cast %add3A_715 : i32 to index
        %get3A_717 = arith.constant 16 : index
        %get3A_718 = tpu.vector_load %arg7[%get3A_716, %get3A_717] {strides = array<i32>} : memref<200x64xf32, #tpu.memory_space<vmem>>, vector<1x16xf32>,
        %get3A_719 = vector.shape_cast %get3A_718 : vector<1x16xf32> to vector<16xf32>
        %swap3A_720 = arith.index_cast %add3A_702 : i32 to index
        %swap3A_721 = arith.constant 16 : index
        %swap3A_722 = tpu.vector_load %arg9[%swap3A_720, %swap3A_721] {strides = array<i32>} : memref<104x128xf32, #tpu.memory_space<vmem>>, vector<1x16xf32>,
        %swap3A_723 = vector.shape_cast %swap3A_722 : vector<1x16xf32> to vector<16xf32>
        %swap3A_724 = vector.shape_cast %get3A_719 : vector<16xf32> to vector<1x16xf32>
        tpu.vector_store %arg9[%swap3A_720, %swap3A_721], %swap3A_724 {add = true, strides = array<i32>} : memref<104x128xf32, #tpu.memory_space<vmem>>, vector<1x16xf32>,
        %add3A_725 = arith.constant 104 : i32
        %add3A_726 = arith.addi %add3A_725, %add3A_702 : i32
        %get3A_727 = arith.index_cast %add3A_726 : i32 to index
        %get3A_728 = arith.constant 32 : index
        %get3A_729 = tpu.vector_load %arg7[%get3A_727, %get3A_728] {strides = array<i32>} : memref<200x64xf32, #tpu.memory_space<vmem>>, vector<1x16xf32>,
        %get3A_730 = vector.shape_cast %get3A_729 : vector<1x16xf32> to vector<16xf32>
        %swap3A_731 = arith.index_cast %add3A_702 : i32 to index
        %swap3A_732 = arith.constant 32 : index
        %swap3A_733 = tpu.vector_load %arg9[%swap3A_731, %swap3A_732] {strides = array<i32>} : memref<104x128xf32, #tpu.memory_space<vmem>>, vector<1x16xf32>,
        %swap3A_734 = vector.shape_cast %swap3A_733 : vector<1x16xf32> to vector<16xf32>
        %swap3A_735 = vector.shape_cast %get3A_730 : vector<16xf32> to vector<1x16xf32>
        tpu.vector_store %arg9[%swap3A_731, %swap3A_732], %swap3A_735 {add = true, strides = array<i32>} : memref<104x128xf32, #tpu.memory_space<vmem>>, vector<1x16xf32>,
        %add3A_736 = arith.constant 104 : i32
        %add3A_737 = arith.addi %add3A_736, %add3A_702 : i32
        %get3A_738 = arith.index_cast %add3A_737 : i32 to index
        %get3A_739 = arith.constant 48 : index
        %get3A_740 = tpu.vector_load %arg7[%get3A_738, %get3A_739] {strides = array<i32>} : memref<200x64xf32, #tpu.memory_space<vmem>>, vector<1x16xf32>,
        %get3A_741 = vector.shape_cast %get3A_740 : vector<1x16xf32> to vector<16xf32>
        %swap3A_742 = arith.index_cast %add3A_702 : i32 to index
        %swap3A_743 = arith.constant 48 : index
        %swap3A_744 = tpu.vector_load %arg9[%swap3A_742, %swap3A_743] {strides = array<i32>} : memref<104x128xf32, #tpu.memory_space<vmem>>, vector<1x16xf32>,
        %swap3A_745 = vector.shape_cast %swap3A_744 : vector<1x16xf32> to vector<16xf32>
        %swap3A_746 = vector.shape_cast %get3A_741 : vector<16xf32> to vector<1x16xf32>
        tpu.vector_store %arg9[%swap3A_742, %swap3A_743], %swap3A_746 {add = true, strides = array<i32>} : memref<104x128xf32, #tpu.memory_space<vmem>>, vector<1x16xf32>,
      }
      %scan3A_249 = arith.constant 96 : i32
      %jit3A_250 = arith.constant 2 : i32
      %div3A_251 = arith.divsi %add3A_185, %jit3A_250 : i32
      %sign3A_252 = arith.constant 0 : i32
      %sign3A_253 = arith.cmpi sgt, %add3A_185, %sign3A_252 : i32
      %sign3A_254 = arith.extui %sign3A_253 : i1 to i32
      %sign3A_255 = arith.constant 0 : i32
      %sign3A_256 = arith.cmpi slt, %add3A_185, %sign3A_255 : i32
      %sign3A_257 = arith.extui %sign3A_256 : i1 to i32
      %sign3A_258 = arith.subi %sign3A_254, %sign3A_257 : i32
      %sign3A_259 = arith.constant 0 : i32
      %sign3A_260 = arith.cmpi sgt, %jit3A_250, %sign3A_259 : i32
      %sign3A_261 = arith.extui %sign3A_260 : i1 to i32
      %sign3A_262 = arith.constant 0 : i32
      %sign3A_263 = arith.cmpi slt, %jit3A_250, %sign3A_262 : i32
      %sign3A_264 = arith.extui %sign3A_263 : i1 to i32
      %sign3A_265 = arith.subi %sign3A_261, %sign3A_264 : i32
      %ne3A_266 = arith.cmpi ne, %sign3A_258, %sign3A_265 : i32
      %rem3A_267 = arith.remsi %add3A_185, %jit3A_250 : i32
      %ne3A_268 = arith.constant 0 : i32
      %ne3A_269 = arith.cmpi ne, %rem3A_267, %ne3A_268 : i32
      %and3A_270 = arith.andi %ne3A_266, %ne3A_269 : i1
      %sub3A_271 = arith.constant 1 : i32
      %sub3A_272 = arith.subi %div3A_251, %sub3A_271 : i32
      %select_n3A_273 = arith.select %and3A_270, %sub3A_272, %div3A_251 : i32
      %mul3A_274 = arith.constant 200 : i32
      %mul3A_275 = arith.muli %select_n3A_273, %mul3A_274 : i32
      %jit3A_276 = arith.constant 2 : i32
      %eq3A_277 = arith.constant 0 : i32
      %eq3A_278 = arith.cmpi eq, %jit3A_276, %eq3A_277 : i32
      %jit3A_279 = arith.constant 1 : i32
      %select_n3A_280 = arith.select %eq3A_278, %jit3A_279, %jit3A_276 : i32
      %rem3A_281 = arith.remsi %add3A_185, %select_n3A_280 : i32
      %ne3A_282 = arith.constant 0 : i32
      %ne3A_283 = arith.cmpi ne, %rem3A_281, %ne3A_282 : i32
      %lt3A_284 = arith.constant 0 : i32
      %lt3A_285 = arith.cmpi slt, %rem3A_281, %lt3A_284 : i32
      %lt3A_286 = arith.constant 0 : i32
      %lt3A_287 = arith.cmpi slt, %select_n3A_280, %lt3A_286 : i32
      %ne3A_288 = arith.xori %lt3A_285, %lt3A_287 : i1
      %and3A_289 = arith.andi %ne3A_288, %ne3A_283 : i1
      %add3A_290 = arith.addi %rem3A_281, %select_n3A_280 : i32
      %select_n3A_291 = arith.select %and3A_289, %add3A_290, %rem3A_281 : i32
      %mul3A_292 = arith.constant 104 : i32
      %mul3A_293 = arith.muli %select_n3A_291, %mul3A_292 : i32
      %add3A_294 = arith.addi %mul3A_275, %mul3A_293 : i32
      %add3A_295 = arith.addi %mul3A_2, %add3A_294 : i32
      %dma_start3A_296 = arith.constant 0 : i32
      %dma_start3A_297 = arith.constant 0 : i32
      %dma_start3A_298 = tpu.memref_slice %arg9[%dma_start3A_296, %dma_start3A_297] : memref<104x128xf32, #tpu.memory_space<vmem>> -> memref<96x128xf32, #tpu.memory_space<vmem>>
      %dma_start3A_299 = arith.constant 0 : i32
      %dma_start3A_300 = tpu.memref_slice %arg5[%add3A_295, %dma_start3A_299] : memref<819200x128xf32, #tpu.memory_space<hbm>> -> memref<96x128xf32, #tpu.memory_space<hbm>>
      %dma_start3A_301 = arith.constant 0 : i32
      %dma_start3A_302 = tpu.memref_slice %arg5[%add3A_295, %dma_start3A_301] : memref<819200x128xf32, #tpu.memory_space<hbm>> -> memref<96x128xf32, #tpu.memory_space<hbm>>
      %dma_start3A_303 = arith.constant 0 : i32
      %dma_start3A_304 = arith.constant 0 : i32
      %dma_start3A_305 = tpu.memref_slice %arg9[%dma_start3A_303, %dma_start3A_304] : memref<104x128xf32, #tpu.memory_space<vmem>> -> memref<96x128xf32, #tpu.memory_space<vmem>>
      tpu.enqueue_dma source(%dma_start3A_305 : memref<96x128xf32, #tpu.memory_space<vmem>>) target(%dma_start3A_302 : memref<96x128xf32, #tpu.memory_space<hbm>>) target_semaphore(%arg17 : memref<!tpu.dma_semaphore, #tpu.memory_space<semaphore_mem>>)
      %add3A_306 = arith.constant 2 : i32
      %add3A_307 = arith.addi %add3A_73, %add3A_306 : i32
      %jit3A_308 = arith.constant 2 : i32
      %div3A_309 = arith.divsi %add3A_307, %jit3A_308 : i32
      %sign3A_310 = arith.constant 0 : i32
      %sign3A_311 = arith.cmpi sgt, %add3A_307, %sign3A_310 : i32
      %sign3A_312 = arith.extui %sign3A_311 : i1 to i32
      %sign3A_313 = arith.constant 0 : i32
      %sign3A_314 = arith.cmpi slt, %add3A_307, %sign3A_313 : i32
      %sign3A_315 = arith.extui %sign3A_314 : i1 to i32
      %sign3A_316 = arith.subi %sign3A_312, %sign3A_315 : i32
      %sign3A_317 = arith.constant 0 : i32
      %sign3A_318 = arith.cmpi sgt, %jit3A_308, %sign3A_317 : i32
      %sign3A_319 = arith.extui %sign3A_318 : i1 to i32
      %sign3A_320 = arith.constant 0 : i32
      %sign3A_321 = arith.cmpi slt, %jit3A_308, %sign3A_320 : i32
      %sign3A_322 = arith.extui %sign3A_321 : i1 to i32
      %sign3A_323 = arith.subi %sign3A_319, %sign3A_322 : i32
      %ne3A_324 = arith.cmpi ne, %sign3A_316, %sign3A_323 : i32
      %rem3A_325 = arith.remsi %add3A_307, %jit3A_308 : i32
      %ne3A_326 = arith.constant 0 : i32
      %ne3A_327 = arith.cmpi ne, %rem3A_325, %ne3A_326 : i32
      %and3A_328 = arith.andi %ne3A_324, %ne3A_327 : i1
      %sub3A_329 = arith.constant 1 : i32
      %sub3A_330 = arith.subi %div3A_309, %sub3A_329 : i32
      %select_n3A_331 = arith.select %and3A_328, %sub3A_330, %div3A_309 : i32
      %mul3A_332 = arith.constant 200 : i32
      %mul3A_333 = arith.muli %select_n3A_331, %mul3A_332 : i32
      %jit3A_334 = arith.constant 2 : i32
      %eq3A_335 = arith.constant 0 : i32
      %eq3A_336 = arith.cmpi eq, %jit3A_334, %eq3A_335 : i32
      %jit3A_337 = arith.constant 1 : i32
      %select_n3A_338 = arith.select %eq3A_336, %jit3A_337, %jit3A_334 : i32
      %rem3A_339 = arith.remsi %add3A_307, %select_n3A_338 : i32
      %ne3A_340 = arith.constant 0 : i32
      %ne3A_341 = arith.cmpi ne, %rem3A_339, %ne3A_340 : i32
      %lt3A_342 = arith.constant 0 : i32
      %lt3A_343 = arith.cmpi slt, %rem3A_339, %lt3A_342 : i32
      %lt3A_344 = arith.constant 0 : i32
      %lt3A_345 = arith.cmpi slt, %select_n3A_338, %lt3A_344 : i32
      %ne3A_346 = arith.xori %lt3A_343, %lt3A_345 : i1
      %and3A_347 = arith.andi %ne3A_346, %ne3A_341 : i1
      %add3A_348 = arith.addi %rem3A_339, %select_n3A_338 : i32
      %select_n3A_349 = arith.select %and3A_347, %add3A_348, %rem3A_339 : i32
      %mul3A_350 = arith.constant 104 : i32
      %mul3A_351 = arith.muli %select_n3A_349, %mul3A_350 : i32
      %add3A_352 = arith.addi %mul3A_333, %mul3A_351 : i32
      %dma_wait3A_353 = arith.constant 0 : i32
      %dma_wait3A_354 = arith.constant 0 : i32
      %dma_wait3A_355 = tpu.memref_slice %arg10[%dma_wait3A_353, %dma_wait3A_354] : memref<104x128xf32, #tpu.memory_space<vmem>> -> memref<104x128xf32, #tpu.memory_space<vmem>>
      %dma_wait3A_356 = tpu.memref_slice %arg6[%add3A_352] : memref<25600xi32, #tpu.memory_space<vmem>> -> memref<104xi32, #tpu.memory_space<vmem>>
      %dma_wait3A_357 = arith.constant 0 : i32
      %dma_wait3A_358 = arith.constant 0 : i32
      %dma_wait3A_359 = tpu.memref_slice %arg3[%dma_wait3A_357, %dma_wait3A_358] : memref<1000000x128xf32, #tpu.memory_space<hbm>> -> memref<1000000x128xf32, #tpu.memory_space<hbm>>
      tpu.wait_indirect_dma semaphore(%arg14 : memref<!tpu.dma_semaphore, #tpu.memory_space<semaphore_mem>>) src(%dma_wait3A_359 : memref<1000000x128xf32, #tpu.memory_space<hbm>>) dst(%dma_wait3A_355 : memref<104x128xf32, #tpu.memory_space<vmem>>)
      %add3A_360 = arith.constant 2 : i32
      %add3A_361 = arith.addi %add3A_307, %add3A_360 : i32
      %lt3A_362 = arith.constant 256 : i32
      %lt3A_363 = arith.cmpi slt, %add3A_361, %lt3A_362 : i32
      %convert_element_type3A_364 = arith.extui %lt3A_363 : i1 to i32
      %cond3A_365 = arith.constant 0 : i32
      %cond3A_366 = arith.cmpi ne, %convert_element_type3A_364, %cond3A_365 : i32
      scf.if %cond3A_366 {
        %ge3A = arith.constant 2 : i32
        %ge3A_550 = arith.cmpi sge, %add3A_307, %ge3A : i32
        %convert_element_type3A_551 = arith.extui %ge3A_550 : i1 to i32
        %cond3A_552 = arith.constant 0 : i32
        %cond3A_553 = arith.cmpi ne, %convert_element_type3A_551, %cond3A_552 : i32
        scf.if %cond3A_553 {
          %sub3A_608 = arith.constant 2 : i32
          %sub3A_609 = arith.subi %add3A_307, %sub3A_608 : i32
          %jit3A_610 = arith.constant 2 : i32
          %div3A_611 = arith.divsi %sub3A_609, %jit3A_610 : i32
          %sign3A_612 = arith.constant 0 : i32
          %sign3A_613 = arith.cmpi sgt, %sub3A_609, %sign3A_612 : i32
          %sign3A_614 = arith.extui %sign3A_613 : i1 to i32
          %sign3A_615 = arith.constant 0 : i32
          %sign3A_616 = arith.cmpi slt, %sub3A_609, %sign3A_615 : i32
          %sign3A_617 = arith.extui %sign3A_616 : i1 to i32
          %sign3A_618 = arith.subi %sign3A_614, %sign3A_617 : i32
          %sign3A_619 = arith.constant 0 : i32
          %sign3A_620 = arith.cmpi sgt, %jit3A_610, %sign3A_619 : i32
          %sign3A_621 = arith.extui %sign3A_620 : i1 to i32
          %sign3A_622 = arith.constant 0 : i32
          %sign3A_623 = arith.cmpi slt, %jit3A_610, %sign3A_622 : i32
          %sign3A_624 = arith.extui %sign3A_623 : i1 to i32
          %sign3A_625 = arith.subi %sign3A_621, %sign3A_624 : i32
          %ne3A_626 = arith.cmpi ne, %sign3A_618, %sign3A_625 : i32
          %rem3A_627 = arith.remsi %sub3A_609, %jit3A_610 : i32
          %ne3A_628 = arith.constant 0 : i32
          %ne3A_629 = arith.cmpi ne, %rem3A_627, %ne3A_628 : i32
          %and3A_630 = arith.andi %ne3A_626, %ne3A_629 : i1
          %sub3A_631 = arith.constant 1 : i32
          %sub3A_632 = arith.subi %div3A_611, %sub3A_631 : i32
          %select_n3A_633 = arith.select %and3A_630, %sub3A_632, %div3A_611 : i32
          %mul3A_634 = arith.constant 200 : i32
          %mul3A_635 = arith.muli %select_n3A_633, %mul3A_634 : i32
          %jit3A_636 = arith.constant 2 : i32
          %eq3A_637 = arith.constant 0 : i32
          %eq3A_638 = arith.cmpi eq, %jit3A_636, %eq3A_637 : i32
          %jit3A_639 = arith.constant 1 : i32
          %select_n3A_640 = arith.select %eq3A_638, %jit3A_639, %jit3A_636 : i32
          %rem3A_641 = arith.remsi %sub3A_609, %select_n3A_640 : i32
          %ne3A_642 = arith.constant 0 : i32
          %ne3A_643 = arith.cmpi ne, %rem3A_641, %ne3A_642 : i32
          %lt3A_644 = arith.constant 0 : i32
          %lt3A_645 = arith.cmpi slt, %rem3A_641, %lt3A_644 : i32
          %lt3A_646 = arith.constant 0 : i32
          %lt3A_647 = arith.cmpi slt, %select_n3A_640, %lt3A_646 : i32
          %ne3A_648 = arith.xori %lt3A_645, %lt3A_647 : i1
          %and3A_649 = arith.andi %ne3A_648, %ne3A_643 : i1
          %add3A_650 = arith.addi %rem3A_641, %select_n3A_640 : i32
          %select_n3A_651 = arith.select %and3A_649, %add3A_650, %rem3A_641 : i32
          %mul3A_652 = arith.constant 104 : i32
          %mul3A_653 = arith.muli %select_n3A_651, %mul3A_652 : i32
          %add3A_654 = arith.addi %mul3A_635, %mul3A_653 : i32
          %add3A_655 = arith.addi %mul3A_2, %add3A_654 : i32
          %dma_wait3A_656 = arith.constant 0 : i32
          %dma_wait3A_657 = arith.constant 0 : i32
          %dma_wait3A_658 = tpu.memref_slice %arg8[%dma_wait3A_656, %dma_wait3A_657] : memref<104x128xf32, #tpu.memory_space<vmem>> -> memref<104x128xf32, #tpu.memory_space<vmem>>
          %dma_wait3A_659 = arith.constant 0 : i32
          %dma_wait3A_660 = tpu.memref_slice %arg5[%add3A_655, %dma_wait3A_659] : memref<819200x128xf32, #tpu.memory_space<hbm>> -> memref<104x128xf32, #tpu.memory_space<hbm>>
          %dma_wait3A_661 = arith.constant 0 : i32
          %dma_wait3A_662 = tpu.memref_slice %arg5[%add3A_655, %dma_wait3A_661] : memref<819200x128xf32, #tpu.memory_space<hbm>> -> memref<104x128xf32, #tpu.memory_space<hbm>>
          %dma_wait3A_663 = arith.constant 0 : i32
          %dma_wait3A_664 = arith.constant 0 : i32
          %dma_wait3A_665 = tpu.memref_slice %arg8[%dma_wait3A_663, %dma_wait3A_664] : memref<104x128xf32, #tpu.memory_space<vmem>> -> memref<104x128xf32, #tpu.memory_space<vmem>>
          tpu.wait_dma2 semaphore(%arg16 : memref<!tpu.dma_semaphore, #tpu.memory_space<semaphore_mem>>) src(%dma_wait3A_665 : memref<104x128xf32, #tpu.memory_space<vmem>>) dst(%dma_wait3A_662 : memref<104x128xf32, #tpu.memory_space<hbm>>)
        } else {
        }
        %add3A_554 = arith.constant 2 : i32
        %add3A_555 = arith.addi %add3A_307, %add3A_554 : i32
        %jit3A_556 = arith.constant 2 : i32
        %div3A_557 = arith.divsi %add3A_555, %jit3A_556 : i32
        %sign3A_558 = arith.constant 0 : i32
        %sign3A_559 = arith.cmpi sgt, %add3A_555, %sign3A_558 : i32
        %sign3A_560 = arith.extui %sign3A_559 : i1 to i32
        %sign3A_561 = arith.constant 0 : i32
        %sign3A_562 = arith.cmpi slt, %add3A_555, %sign3A_561 : i32
        %sign3A_563 = arith.extui %sign3A_562 : i1 to i32
        %sign3A_564 = arith.subi %sign3A_560, %sign3A_563 : i32
        %sign3A_565 = arith.constant 0 : i32
        %sign3A_566 = arith.cmpi sgt, %jit3A_556, %sign3A_565 : i32
        %sign3A_567 = arith.extui %sign3A_566 : i1 to i32
        %sign3A_568 = arith.constant 0 : i32
        %sign3A_569 = arith.cmpi slt, %jit3A_556, %sign3A_568 : i32
        %sign3A_570 = arith.extui %sign3A_569 : i1 to i32
        %sign3A_571 = arith.subi %sign3A_567, %sign3A_570 : i32
        %ne3A_572 = arith.cmpi ne, %sign3A_564, %sign3A_571 : i32
        %rem3A_573 = arith.remsi %add3A_555, %jit3A_556 : i32
        %ne3A_574 = arith.constant 0 : i32
        %ne3A_575 = arith.cmpi ne, %rem3A_573, %ne3A_574 : i32
        %and3A_576 = arith.andi %ne3A_572, %ne3A_575 : i1
        %sub3A_577 = arith.constant 1 : i32
        %sub3A_578 = arith.subi %div3A_557, %sub3A_577 : i32
        %select_n3A_579 = arith.select %and3A_576, %sub3A_578, %div3A_557 : i32
        %mul3A_580 = arith.constant 200 : i32
        %mul3A_581 = arith.muli %select_n3A_579, %mul3A_580 : i32
        %jit3A_582 = arith.constant 2 : i32
        %eq3A_583 = arith.constant 0 : i32
        %eq3A_584 = arith.cmpi eq, %jit3A_582, %eq3A_583 : i32
        %jit3A_585 = arith.constant 1 : i32
        %select_n3A_586 = arith.select %eq3A_584, %jit3A_585, %jit3A_582 : i32
        %rem3A_587 = arith.remsi %add3A_555, %select_n3A_586 : i32
        %ne3A_588 = arith.constant 0 : i32
        %ne3A_589 = arith.cmpi ne, %rem3A_587, %ne3A_588 : i32
        %lt3A_590 = arith.constant 0 : i32
        %lt3A_591 = arith.cmpi slt, %rem3A_587, %lt3A_590 : i32
        %lt3A_592 = arith.constant 0 : i32
        %lt3A_593 = arith.cmpi slt, %select_n3A_586, %lt3A_592 : i32
        %ne3A_594 = arith.xori %lt3A_591, %lt3A_593 : i1
        %and3A_595 = arith.andi %ne3A_594, %ne3A_589 : i1
        %add3A_596 = arith.addi %rem3A_587, %select_n3A_586 : i32
        %select_n3A_597 = arith.select %and3A_595, %add3A_596, %rem3A_587 : i32
        %mul3A_598 = arith.constant 104 : i32
        %mul3A_599 = arith.muli %select_n3A_597, %mul3A_598 : i32
        %add3A_600 = arith.addi %mul3A_581, %mul3A_599 : i32
        %dma_start3A_601 = arith.constant 0 : i32
        %dma_start3A_602 = arith.constant 0 : i32
        %dma_start3A_603 = tpu.memref_slice %arg8[%dma_start3A_601, %dma_start3A_602] : memref<104x128xf32, #tpu.memory_space<vmem>> -> memref<104x128xf32, #tpu.memory_space<vmem>>
        %dma_start3A_604 = tpu.memref_slice %arg6[%add3A_600] : memref<25600xi32, #tpu.memory_space<vmem>> -> memref<104xi32, #tpu.memory_space<vmem>>
        %dma_start3A_605 = arith.constant 0 : i32
        %dma_start3A_606 = arith.constant 0 : i32
        %dma_start3A_607 = tpu.memref_slice %arg3[%dma_start3A_605, %dma_start3A_606] : memref<1000000x128xf32, #tpu.memory_space<hbm>> -> memref<1000000x128xf32, #tpu.memory_space<hbm>>
        tpu.enqueue_indirect_dma source(%dma_start3A_607 : memref<1000000x128xf32, #tpu.memory_space<hbm>>) target(%dma_start3A_603 : memref<104x128xf32, #tpu.memory_space<vmem>>) offsets(%dma_start3A_604 : memref<104xi32, #tpu.memory_space<vmem>>) semaphore(%arg12 : memref<!tpu.dma_semaphore, #tpu.memory_space<semaphore_mem>>)
      } else {
      }
      %scan3A_367 = arith.constant 0 : i32
      %scan3A_368 = arith.constant 104 : i32
      %scan3A_369 = arith.addi %scan3A_367, %scan3A_368 : i32
      %scan3A_370 = arith.constant 4 : i32
      scf.for %scan3A_550 = %scan3A_367 to %scan3A_369 step %scan3A_370  : i32 {
        %mul3A_551 = arith.constant 1 : i32
        %mul3A_552 = arith.muli %scan3A_550, %mul3A_551 : i32
        %add3A_553 = arith.constant 0 : i32
        %add3A_554 = arith.addi %add3A_553, %mul3A_552 : i32
        %add3A_555 = arith.constant 0 : i32
        %add3A_556 = arith.addi %add3A_555, %add3A_554 : i32
        %get3A = arith.index_cast %add3A_556 : i32 to index
        %get3A_557 = arith.constant 0 : index
        %get3A_558 = tpu.vector_load %arg7[%get3A, %get3A_557] {strides = array<i32>} : memref<200x64xf32, #tpu.memory_space<vmem>>, vector<1x16xf32>,
        %get3A_559 = vector.shape_cast %get3A_558 : vector<1x16xf32> to vector<16xf32>
        %swap3A = arith.index_cast %add3A_554 : i32 to index
        %swap3A_560 = arith.constant 0 : index
        %swap3A_561 = tpu.vector_load %arg10[%swap3A, %swap3A_560] {strides = array<i32>} : memref<104x128xf32, #tpu.memory_space<vmem>>, vector<1x16xf32>,
        %swap3A_562 = vector.shape_cast %swap3A_561 : vector<1x16xf32> to vector<16xf32>
        %swap3A_563 = vector.shape_cast %get3A_559 : vector<16xf32> to vector<1x16xf32>
        tpu.vector_store %arg10[%swap3A, %swap3A_560], %swap3A_563 {add = true, strides = array<i32>} : memref<104x128xf32, #tpu.memory_space<vmem>>, vector<1x16xf32>,
        %add3A_564 = arith.constant 0 : i32
        %add3A_565 = arith.addi %add3A_564, %add3A_554 : i32
        %get3A_566 = arith.index_cast %add3A_565 : i32 to index
        %get3A_567 = arith.constant 16 : index
        %get3A_568 = tpu.vector_load %arg7[%get3A_566, %get3A_567] {strides = array<i32>} : memref<200x64xf32, #tpu.memory_space<vmem>>, vector<1x16xf32>,
        %get3A_569 = vector.shape_cast %get3A_568 : vector<1x16xf32> to vector<16xf32>
        %swap3A_570 = arith.index_cast %add3A_554 : i32 to index
        %swap3A_571 = arith.constant 16 : index
        %swap3A_572 = tpu.vector_load %arg10[%swap3A_570, %swap3A_571] {strides = array<i32>} : memref<104x128xf32, #tpu.memory_space<vmem>>, vector<1x16xf32>,
        %swap3A_573 = vector.shape_cast %swap3A_572 : vector<1x16xf32> to vector<16xf32>
        %swap3A_574 = vector.shape_cast %get3A_569 : vector<16xf32> to vector<1x16xf32>
        tpu.vector_store %arg10[%swap3A_570, %swap3A_571], %swap3A_574 {add = true, strides = array<i32>} : memref<104x128xf32, #tpu.memory_space<vmem>>, vector<1x16xf32>,
        %add3A_575 = arith.constant 0 : i32
        %add3A_576 = arith.addi %add3A_575, %add3A_554 : i32
        %get3A_577 = arith.index_cast %add3A_576 : i32 to index
        %get3A_578 = arith.constant 32 : index
        %get3A_579 = tpu.vector_load %arg7[%get3A_577, %get3A_578] {strides = array<i32>} : memref<200x64xf32, #tpu.memory_space<vmem>>, vector<1x16xf32>,
        %get3A_580 = vector.shape_cast %get3A_579 : vector<1x16xf32> to vector<16xf32>
        %swap3A_581 = arith.index_cast %add3A_554 : i32 to index
        %swap3A_582 = arith.constant 32 : index
        %swap3A_583 = tpu.vector_load %arg10[%swap3A_581, %swap3A_582] {strides = array<i32>} : memref<104x128xf32, #tpu.memory_space<vmem>>, vector<1x16xf32>,
        %swap3A_584 = vector.shape_cast %swap3A_583 : vector<1x16xf32> to vector<16xf32>
        %swap3A_585 = vector.shape_cast %get3A_580 : vector<16xf32> to vector<1x16xf32>
        tpu.vector_store %arg10[%swap3A_581, %swap3A_582], %swap3A_585 {add = true, strides = array<i32>} : memref<104x128xf32, #tpu.memory_space<vmem>>, vector<1x16xf32>,
        %add3A_586 = arith.constant 0 : i32
        %add3A_587 = arith.addi %add3A_586, %add3A_554 : i32
        %get3A_588 = arith.index_cast %add3A_587 : i32 to index
        %get3A_589 = arith.constant 48 : index
        %get3A_590 = tpu.vector_load %arg7[%get3A_588, %get3A_589] {strides = array<i32>} : memref<200x64xf32, #tpu.memory_space<vmem>>, vector<1x16xf32>,
        %get3A_591 = vector.shape_cast %get3A_590 : vector<1x16xf32> to vector<16xf32>
        %swap3A_592 = arith.index_cast %add3A_554 : i32 to index
        %swap3A_593 = arith.constant 48 : index
        %swap3A_594 = tpu.vector_load %arg10[%swap3A_592, %swap3A_593] {strides = array<i32>} : memref<104x128xf32, #tpu.memory_space<vmem>>, vector<1x16xf32>,
        %swap3A_595 = vector.shape_cast %swap3A_594 : vector<1x16xf32> to vector<16xf32>
        %swap3A_596 = vector.shape_cast %get3A_591 : vector<16xf32> to vector<1x16xf32>
        tpu.vector_store %arg10[%swap3A_592, %swap3A_593], %swap3A_596 {add = true, strides = array<i32>} : memref<104x128xf32, #tpu.memory_space<vmem>>, vector<1x16xf32>,
        %scan3A_597 = arith.constant 1 : i32
        %scan3A_598 = arith.addi %scan3A_550, %scan3A_597 : i32
        %mul3A_599 = arith.constant 1 : i32
        %mul3A_600 = arith.muli %scan3A_598, %mul3A_599 : i32
        %add3A_601 = arith.constant 0 : i32
        %add3A_602 = arith.addi %add3A_601, %mul3A_600 : i32
        %add3A_603 = arith.constant 0 : i32
        %add3A_604 = arith.addi %add3A_603, %add3A_602 : i32
        %get3A_605 = arith.index_cast %add3A_604 : i32 to index
        %get3A_606 = arith.constant 0 : index
        %get3A_607 = tpu.vector_load %arg7[%get3A_605, %get3A_606] {strides = array<i32>} : memref<200x64xf32, #tpu.memory_space<vmem>>, vector<1x16xf32>,
        %get3A_608 = vector.shape_cast %get3A_607 : vector<1x16xf32> to vector<16xf32>
        %swap3A_609 = arith.index_cast %add3A_602 : i32 to index
        %swap3A_610 = arith.constant 0 : index
        %swap3A_611 = tpu.vector_load %arg10[%swap3A_609, %swap3A_610] {strides = array<i32>} : memref<104x128xf32, #tpu.memory_space<vmem>>, vector<1x16xf32>,
        %swap3A_612 = vector.shape_cast %swap3A_611 : vector<1x16xf32> to vector<16xf32>
        %swap3A_613 = vector.shape_cast %get3A_608 : vector<16xf32> to vector<1x16xf32>
        tpu.vector_store %arg10[%swap3A_609, %swap3A_610], %swap3A_613 {add = true, strides = array<i32>} : memref<104x128xf32, #tpu.memory_space<vmem>>, vector<1x16xf32>,
        %add3A_614 = arith.constant 0 : i32
        %add3A_615 = arith.addi %add3A_614, %add3A_602 : i32
        %get3A_616 = arith.index_cast %add3A_615 : i32 to index
        %get3A_617 = arith.constant 16 : index
        %get3A_618 = tpu.vector_load %arg7[%get3A_616, %get3A_617] {strides = array<i32>} : memref<200x64xf32, #tpu.memory_space<vmem>>, vector<1x16xf32>,
        %get3A_619 = vector.shape_cast %get3A_618 : vector<1x16xf32> to vector<16xf32>
        %swap3A_620 = arith.index_cast %add3A_602 : i32 to index
        %swap3A_621 = arith.constant 16 : index
        %swap3A_622 = tpu.vector_load %arg10[%swap3A_620, %swap3A_621] {strides = array<i32>} : memref<104x128xf32, #tpu.memory_space<vmem>>, vector<1x16xf32>,
        %swap3A_623 = vector.shape_cast %swap3A_622 : vector<1x16xf32> to vector<16xf32>
        %swap3A_624 = vector.shape_cast %get3A_619 : vector<16xf32> to vector<1x16xf32>
        tpu.vector_store %arg10[%swap3A_620, %swap3A_621], %swap3A_624 {add = true, strides = array<i32>} : memref<104x128xf32, #tpu.memory_space<vmem>>, vector<1x16xf32>,
        %add3A_625 = arith.constant 0 : i32
        %add3A_626 = arith.addi %add3A_625, %add3A_602 : i32
        %get3A_627 = arith.index_cast %add3A_626 : i32 to index
        %get3A_628 = arith.constant 32 : index
        %get3A_629 = tpu.vector_load %arg7[%get3A_627, %get3A_628] {strides = array<i32>} : memref<200x64xf32, #tpu.memory_space<vmem>>, vector<1x16xf32>,
        %get3A_630 = vector.shape_cast %get3A_629 : vector<1x16xf32> to vector<16xf32>
        %swap3A_631 = arith.index_cast %add3A_602 : i32 to index
        %swap3A_632 = arith.constant 32 : index
        %swap3A_633 = tpu.vector_load %arg10[%swap3A_631, %swap3A_632] {strides = array<i32>} : memref<104x128xf32, #tpu.memory_space<vmem>>, vector<1x16xf32>,
        %swap3A_634 = vector.shape_cast %swap3A_633 : vector<1x16xf32> to vector<16xf32>
        %swap3A_635 = vector.shape_cast %get3A_630 : vector<16xf32> to vector<1x16xf32>
        tpu.vector_store %arg10[%swap3A_631, %swap3A_632], %swap3A_635 {add = true, strides = array<i32>} : memref<104x128xf32, #tpu.memory_space<vmem>>, vector<1x16xf32>,
        %add3A_636 = arith.constant 0 : i32
        %add3A_637 = arith.addi %add3A_636, %add3A_602 : i32
        %get3A_638 = arith.index_cast %add3A_637 : i32 to index
        %get3A_639 = arith.constant 48 : index
        %get3A_640 = tpu.vector_load %arg7[%get3A_638, %get3A_639] {strides = array<i32>} : memref<200x64xf32, #tpu.memory_space<vmem>>, vector<1x16xf32>,
        %get3A_641 = vector.shape_cast %get3A_640 : vector<1x16xf32> to vector<16xf32>
        %swap3A_642 = arith.index_cast %add3A_602 : i32 to index
        %swap3A_643 = arith.constant 48 : index
        %swap3A_644 = tpu.vector_load %arg10[%swap3A_642, %swap3A_643] {strides = array<i32>} : memref<104x128xf32, #tpu.memory_space<vmem>>, vector<1x16xf32>,
        %swap3A_645 = vector.shape_cast %swap3A_644 : vector<1x16xf32> to vector<16xf32>
        %swap3A_646 = vector.shape_cast %get3A_641 : vector<16xf32> to vector<1x16xf32>
        tpu.vector_store %arg10[%swap3A_642, %swap3A_643], %swap3A_646 {add = true, strides = array<i32>} : memref<104x128xf32, #tpu.memory_space<vmem>>, vector<1x16xf32>,
        %scan3A_647 = arith.constant 2 : i32
        %scan3A_648 = arith.addi %scan3A_550, %scan3A_647 : i32
        %mul3A_649 = arith.constant 1 : i32
        %mul3A_650 = arith.muli %scan3A_648, %mul3A_649 : i32
        %add3A_651 = arith.constant 0 : i32
        %add3A_652 = arith.addi %add3A_651, %mul3A_650 : i32
        %add3A_653 = arith.constant 0 : i32
        %add3A_654 = arith.addi %add3A_653, %add3A_652 : i32
        %get3A_655 = arith.index_cast %add3A_654 : i32 to index
        %get3A_656 = arith.constant 0 : index
        %get3A_657 = tpu.vector_load %arg7[%get3A_655, %get3A_656] {strides = array<i32>} : memref<200x64xf32, #tpu.memory_space<vmem>>, vector<1x16xf32>,
        %get3A_658 = vector.shape_cast %get3A_657 : vector<1x16xf32> to vector<16xf32>
        %swap3A_659 = arith.index_cast %add3A_652 : i32 to index
        %swap3A_660 = arith.constant 0 : index
        %swap3A_661 = tpu.vector_load %arg10[%swap3A_659, %swap3A_660] {strides = array<i32>} : memref<104x128xf32, #tpu.memory_space<vmem>>, vector<1x16xf32>,
        %swap3A_662 = vector.shape_cast %swap3A_661 : vector<1x16xf32> to vector<16xf32>
        %swap3A_663 = vector.shape_cast %get3A_658 : vector<16xf32> to vector<1x16xf32>
        tpu.vector_store %arg10[%swap3A_659, %swap3A_660], %swap3A_663 {add = true, strides = array<i32>} : memref<104x128xf32, #tpu.memory_space<vmem>>, vector<1x16xf32>,
        %add3A_664 = arith.constant 0 : i32
        %add3A_665 = arith.addi %add3A_664, %add3A_652 : i32
        %get3A_666 = arith.index_cast %add3A_665 : i32 to index
        %get3A_667 = arith.constant 16 : index
        %get3A_668 = tpu.vector_load %arg7[%get3A_666, %get3A_667] {strides = array<i32>} : memref<200x64xf32, #tpu.memory_space<vmem>>, vector<1x16xf32>,
        %get3A_669 = vector.shape_cast %get3A_668 : vector<1x16xf32> to vector<16xf32>
        %swap3A_670 = arith.index_cast %add3A_652 : i32 to index
        %swap3A_671 = arith.constant 16 : index
        %swap3A_672 = tpu.vector_load %arg10[%swap3A_670, %swap3A_671] {strides = array<i32>} : memref<104x128xf32, #tpu.memory_space<vmem>>, vector<1x16xf32>,
        %swap3A_673 = vector.shape_cast %swap3A_672 : vector<1x16xf32> to vector<16xf32>
        %swap3A_674 = vector.shape_cast %get3A_669 : vector<16xf32> to vector<1x16xf32>
        tpu.vector_store %arg10[%swap3A_670, %swap3A_671], %swap3A_674 {add = true, strides = array<i32>} : memref<104x128xf32, #tpu.memory_space<vmem>>, vector<1x16xf32>,
        %add3A_675 = arith.constant 0 : i32
        %add3A_676 = arith.addi %add3A_675, %add3A_652 : i32
        %get3A_677 = arith.index_cast %add3A_676 : i32 to index
        %get3A_678 = arith.constant 32 : index
        %get3A_679 = tpu.vector_load %arg7[%get3A_677, %get3A_678] {strides = array<i32>} : memref<200x64xf32, #tpu.memory_space<vmem>>, vector<1x16xf32>,
        %get3A_680 = vector.shape_cast %get3A_679 : vector<1x16xf32> to vector<16xf32>
        %swap3A_681 = arith.index_cast %add3A_652 : i32 to index
        %swap3A_682 = arith.constant 32 : index
        %swap3A_683 = tpu.vector_load %arg10[%swap3A_681, %swap3A_682] {strides = array<i32>} : memref<104x128xf32, #tpu.memory_space<vmem>>, vector<1x16xf32>,
        %swap3A_684 = vector.shape_cast %swap3A_683 : vector<1x16xf32> to vector<16xf32>
        %swap3A_685 = vector.shape_cast %get3A_680 : vector<16xf32> to vector<1x16xf32>
        tpu.vector_store %arg10[%swap3A_681, %swap3A_682], %swap3A_685 {add = true, strides = array<i32>} : memref<104x128xf32, #tpu.memory_space<vmem>>, vector<1x16xf32>,
        %add3A_686 = arith.constant 0 : i32
        %add3A_687 = arith.addi %add3A_686, %add3A_652 : i32
        %get3A_688 = arith.index_cast %add3A_687 : i32 to index
        %get3A_689 = arith.constant 48 : index
        %get3A_690 = tpu.vector_load %arg7[%get3A_688, %get3A_689] {strides = array<i32>} : memref<200x64xf32, #tpu.memory_space<vmem>>, vector<1x16xf32>,
        %get3A_691 = vector.shape_cast %get3A_690 : vector<1x16xf32> to vector<16xf32>
        %swap3A_692 = arith.index_cast %add3A_652 : i32 to index
        %swap3A_693 = arith.constant 48 : index
        %swap3A_694 = tpu.vector_load %arg10[%swap3A_692, %swap3A_693] {strides = array<i32>} : memref<104x128xf32, #tpu.memory_space<vmem>>, vector<1x16xf32>,
        %swap3A_695 = vector.shape_cast %swap3A_694 : vector<1x16xf32> to vector<16xf32>
        %swap3A_696 = vector.shape_cast %get3A_691 : vector<16xf32> to vector<1x16xf32>
        tpu.vector_store %arg10[%swap3A_692, %swap3A_693], %swap3A_696 {add = true, strides = array<i32>} : memref<104x128xf32, #tpu.memory_space<vmem>>, vector<1x16xf32>,
        %scan3A_697 = arith.constant 3 : i32
        %scan3A_698 = arith.addi %scan3A_550, %scan3A_697 : i32
        %mul3A_699 = arith.constant 1 : i32
        %mul3A_700 = arith.muli %scan3A_698, %mul3A_699 : i32
        %add3A_701 = arith.constant 0 : i32
        %add3A_702 = arith.addi %add3A_701, %mul3A_700 : i32
        %add3A_703 = arith.constant 0 : i32
        %add3A_704 = arith.addi %add3A_703, %add3A_702 : i32
        %get3A_705 = arith.index_cast %add3A_704 : i32 to index
        %get3A_706 = arith.constant 0 : index
        %get3A_707 = tpu.vector_load %arg7[%get3A_705, %get3A_706] {strides = array<i32>} : memref<200x64xf32, #tpu.memory_space<vmem>>, vector<1x16xf32>,
        %get3A_708 = vector.shape_cast %get3A_707 : vector<1x16xf32> to vector<16xf32>
        %swap3A_709 = arith.index_cast %add3A_702 : i32 to index
        %swap3A_710 = arith.constant 0 : index
        %swap3A_711 = tpu.vector_load %arg10[%swap3A_709, %swap3A_710] {strides = array<i32>} : memref<104x128xf32, #tpu.memory_space<vmem>>, vector<1x16xf32>,
        %swap3A_712 = vector.shape_cast %swap3A_711 : vector<1x16xf32> to vector<16xf32>
        %swap3A_713 = vector.shape_cast %get3A_708 : vector<16xf32> to vector<1x16xf32>
        tpu.vector_store %arg10[%swap3A_709, %swap3A_710], %swap3A_713 {add = true, strides = array<i32>} : memref<104x128xf32, #tpu.memory_space<vmem>>, vector<1x16xf32>,
        %add3A_714 = arith.constant 0 : i32
        %add3A_715 = arith.addi %add3A_714, %add3A_702 : i32
        %get3A_716 = arith.index_cast %add3A_715 : i32 to index
        %get3A_717 = arith.constant 16 : index
        %get3A_718 = tpu.vector_load %arg7[%get3A_716, %get3A_717] {strides = array<i32>} : memref<200x64xf32, #tpu.memory_space<vmem>>, vector<1x16xf32>,
        %get3A_719 = vector.shape_cast %get3A_718 : vector<1x16xf32> to vector<16xf32>
        %swap3A_720 = arith.index_cast %add3A_702 : i32 to index
        %swap3A_721 = arith.constant 16 : index
        %swap3A_722 = tpu.vector_load %arg10[%swap3A_720, %swap3A_721] {strides = array<i32>} : memref<104x128xf32, #tpu.memory_space<vmem>>, vector<1x16xf32>,
        %swap3A_723 = vector.shape_cast %swap3A_722 : vector<1x16xf32> to vector<16xf32>
        %swap3A_724 = vector.shape_cast %get3A_719 : vector<16xf32> to vector<1x16xf32>
        tpu.vector_store %arg10[%swap3A_720, %swap3A_721], %swap3A_724 {add = true, strides = array<i32>} : memref<104x128xf32, #tpu.memory_space<vmem>>, vector<1x16xf32>,
        %add3A_725 = arith.constant 0 : i32
        %add3A_726 = arith.addi %add3A_725, %add3A_702 : i32
        %get3A_727 = arith.index_cast %add3A_726 : i32 to index
        %get3A_728 = arith.constant 32 : index
        %get3A_729 = tpu.vector_load %arg7[%get3A_727, %get3A_728] {strides = array<i32>} : memref<200x64xf32, #tpu.memory_space<vmem>>, vector<1x16xf32>,
        %get3A_730 = vector.shape_cast %get3A_729 : vector<1x16xf32> to vector<16xf32>
        %swap3A_731 = arith.index_cast %add3A_702 : i32 to index
        %swap3A_732 = arith.constant 32 : index
        %swap3A_733 = tpu.vector_load %arg10[%swap3A_731, %swap3A_732] {strides = array<i32>} : memref<104x128xf32, #tpu.memory_space<vmem>>, vector<1x16xf32>,
        %swap3A_734 = vector.shape_cast %swap3A_733 : vector<1x16xf32> to vector<16xf32>
        %swap3A_735 = vector.shape_cast %get3A_730 : vector<16xf32> to vector<1x16xf32>
        tpu.vector_store %arg10[%swap3A_731, %swap3A_732], %swap3A_735 {add = true, strides = array<i32>} : memref<104x128xf32, #tpu.memory_space<vmem>>, vector<1x16xf32>,
        %add3A_736 = arith.constant 0 : i32
        %add3A_737 = arith.addi %add3A_736, %add3A_702 : i32
        %get3A_738 = arith.index_cast %add3A_737 : i32 to index
        %get3A_739 = arith.constant 48 : index
        %get3A_740 = tpu.vector_load %arg7[%get3A_738, %get3A_739] {strides = array<i32>} : memref<200x64xf32, #tpu.memory_space<vmem>>, vector<1x16xf32>,
        %get3A_741 = vector.shape_cast %get3A_740 : vector<1x16xf32> to vector<16xf32>
        %swap3A_742 = arith.index_cast %add3A_702 : i32 to index
        %swap3A_743 = arith.constant 48 : index
        %swap3A_744 = tpu.vector_load %arg10[%swap3A_742, %swap3A_743] {strides = array<i32>} : memref<104x128xf32, #tpu.memory_space<vmem>>, vector<1x16xf32>,
        %swap3A_745 = vector.shape_cast %swap3A_744 : vector<1x16xf32> to vector<16xf32>
        %swap3A_746 = vector.shape_cast %get3A_741 : vector<16xf32> to vector<1x16xf32>
        tpu.vector_store %arg10[%swap3A_742, %swap3A_743], %swap3A_746 {add = true, strides = array<i32>} : memref<104x128xf32, #tpu.memory_space<vmem>>, vector<1x16xf32>,
      }
      %scan3A_371 = arith.constant 104 : i32
      %jit3A_372 = arith.constant 2 : i32
      %div3A_373 = arith.divsi %add3A_307, %jit3A_372 : i32
      %sign3A_374 = arith.constant 0 : i32
      %sign3A_375 = arith.cmpi sgt, %add3A_307, %sign3A_374 : i32
      %sign3A_376 = arith.extui %sign3A_375 : i1 to i32
      %sign3A_377 = arith.constant 0 : i32
      %sign3A_378 = arith.cmpi slt, %add3A_307, %sign3A_377 : i32
      %sign3A_379 = arith.extui %sign3A_378 : i1 to i32
      %sign3A_380 = arith.subi %sign3A_376, %sign3A_379 : i32
      %sign3A_381 = arith.constant 0 : i32
      %sign3A_382 = arith.cmpi sgt, %jit3A_372, %sign3A_381 : i32
      %sign3A_383 = arith.extui %sign3A_382 : i1 to i32
      %sign3A_384 = arith.constant 0 : i32
      %sign3A_385 = arith.cmpi slt, %jit3A_372, %sign3A_384 : i32
      %sign3A_386 = arith.extui %sign3A_385 : i1 to i32
      %sign3A_387 = arith.subi %sign3A_383, %sign3A_386 : i32
      %ne3A_388 = arith.cmpi ne, %sign3A_380, %sign3A_387 : i32
      %rem3A_389 = arith.remsi %add3A_307, %jit3A_372 : i32
      %ne3A_390 = arith.constant 0 : i32
      %ne3A_391 = arith.cmpi ne, %rem3A_389, %ne3A_390 : i32
      %and3A_392 = arith.andi %ne3A_388, %ne3A_391 : i1
      %sub3A_393 = arith.constant 1 : i32
      %sub3A_394 = arith.subi %div3A_373, %sub3A_393 : i32
      %select_n3A_395 = arith.select %and3A_392, %sub3A_394, %div3A_373 : i32
      %mul3A_396 = arith.constant 200 : i32
      %mul3A_397 = arith.muli %select_n3A_395, %mul3A_396 : i32
      %jit3A_398 = arith.constant 2 : i32
      %eq3A_399 = arith.constant 0 : i32
      %eq3A_400 = arith.cmpi eq, %jit3A_398, %eq3A_399 : i32
      %jit3A_401 = arith.constant 1 : i32
      %select_n3A_402 = arith.select %eq3A_400, %jit3A_401, %jit3A_398 : i32
      %rem3A_403 = arith.remsi %add3A_307, %select_n3A_402 : i32
      %ne3A_404 = arith.constant 0 : i32
      %ne3A_405 = arith.cmpi ne, %rem3A_403, %ne3A_404 : i32
      %lt3A_406 = arith.constant 0 : i32
      %lt3A_407 = arith.cmpi slt, %rem3A_403, %lt3A_406 : i32
      %lt3A_408 = arith.constant 0 : i32
      %lt3A_409 = arith.cmpi slt, %select_n3A_402, %lt3A_408 : i32
      %ne3A_410 = arith.xori %lt3A_407, %lt3A_409 : i1
      %and3A_411 = arith.andi %ne3A_410, %ne3A_405 : i1
      %add3A_412 = arith.addi %rem3A_403, %select_n3A_402 : i32
      %select_n3A_413 = arith.select %and3A_411, %add3A_412, %rem3A_403 : i32
      %mul3A_414 = arith.constant 104 : i32
      %mul3A_415 = arith.muli %select_n3A_413, %mul3A_414 : i32
      %add3A_416 = arith.addi %mul3A_397, %mul3A_415 : i32
      %add3A_417 = arith.addi %mul3A_2, %add3A_416 : i32
      %dma_start3A_418 = arith.constant 0 : i32
      %dma_start3A_419 = arith.constant 0 : i32
      %dma_start3A_420 = tpu.memref_slice %arg10[%dma_start3A_418, %dma_start3A_419] : memref<104x128xf32, #tpu.memory_space<vmem>> -> memref<104x128xf32, #tpu.memory_space<vmem>>
      %dma_start3A_421 = arith.constant 0 : i32
      %dma_start3A_422 = tpu.memref_slice %arg5[%add3A_417, %dma_start3A_421] : memref<819200x128xf32, #tpu.memory_space<hbm>> -> memref<104x128xf32, #tpu.memory_space<hbm>>
      %dma_start3A_423 = arith.constant 0 : i32
      %dma_start3A_424 = tpu.memref_slice %arg5[%add3A_417, %dma_start3A_423] : memref<819200x128xf32, #tpu.memory_space<hbm>> -> memref<104x128xf32, #tpu.memory_space<hbm>>
      %dma_start3A_425 = arith.constant 0 : i32
      %dma_start3A_426 = arith.constant 0 : i32
      %dma_start3A_427 = tpu.memref_slice %arg10[%dma_start3A_425, %dma_start3A_426] : memref<104x128xf32, #tpu.memory_space<vmem>> -> memref<104x128xf32, #tpu.memory_space<vmem>>
      tpu.enqueue_dma source(%dma_start3A_427 : memref<104x128xf32, #tpu.memory_space<vmem>>) target(%dma_start3A_424 : memref<104x128xf32, #tpu.memory_space<hbm>>) target_semaphore(%arg18 : memref<!tpu.dma_semaphore, #tpu.memory_space<semaphore_mem>>)
      %add3A_428 = arith.constant 3 : i32
      %add3A_429 = arith.addi %add3A_73, %add3A_428 : i32
      %jit3A_430 = arith.constant 2 : i32
      %div3A_431 = arith.divsi %add3A_429, %jit3A_430 : i32
      %sign3A_432 = arith.constant 0 : i32
      %sign3A_433 = arith.cmpi sgt, %add3A_429, %sign3A_432 : i32
      %sign3A_434 = arith.extui %sign3A_433 : i1 to i32
      %sign3A_435 = arith.constant 0 : i32
      %sign3A_436 = arith.cmpi slt, %add3A_429, %sign3A_435 : i32
      %sign3A_437 = arith.extui %sign3A_436 : i1 to i32
      %sign3A_438 = arith.subi %sign3A_434, %sign3A_437 : i32
      %sign3A_439 = arith.constant 0 : i32
      %sign3A_440 = arith.cmpi sgt, %jit3A_430, %sign3A_439 : i32
      %sign3A_441 = arith.extui %sign3A_440 : i1 to i32
      %sign3A_442 = arith.constant 0 : i32
      %sign3A_443 = arith.cmpi slt, %jit3A_430, %sign3A_442 : i32
      %sign3A_444 = arith.extui %sign3A_443 : i1 to i32
      %sign3A_445 = arith.subi %sign3A_441, %sign3A_444 : i32
      %ne3A_446 = arith.cmpi ne, %sign3A_438, %sign3A_445 : i32
      %rem3A_447 = arith.remsi %add3A_429, %jit3A_430 : i32
      %ne3A_448 = arith.constant 0 : i32
      %ne3A_449 = arith.cmpi ne, %rem3A_447, %ne3A_448 : i32
      %and3A_450 = arith.andi %ne3A_446, %ne3A_449 : i1
      %sub3A_451 = arith.constant 1 : i32
      %sub3A_452 = arith.subi %div3A_431, %sub3A_451 : i32
      %select_n3A_453 = arith.select %and3A_450, %sub3A_452, %div3A_431 : i32
      %mul3A_454 = arith.constant 200 : i32
      %mul3A_455 = arith.muli %select_n3A_453, %mul3A_454 : i32
      %jit3A_456 = arith.constant 2 : i32
      %eq3A_457 = arith.constant 0 : i32
      %eq3A_458 = arith.cmpi eq, %jit3A_456, %eq3A_457 : i32
      %jit3A_459 = arith.constant 1 : i32
      %select_n3A_460 = arith.select %eq3A_458, %jit3A_459, %jit3A_456 : i32
      %rem3A_461 = arith.remsi %add3A_429, %select_n3A_460 : i32
      %ne3A_462 = arith.constant 0 : i32
      %ne3A_463 = arith.cmpi ne, %rem3A_461, %ne3A_462 : i32
      %lt3A_464 = arith.constant 0 : i32
      %lt3A_465 = arith.cmpi slt, %rem3A_461, %lt3A_464 : i32
      %lt3A_466 = arith.constant 0 : i32
      %lt3A_467 = arith.cmpi slt, %select_n3A_460, %lt3A_466 : i32
      %ne3A_468 = arith.xori %lt3A_465, %lt3A_467 : i1
      %and3A_469 = arith.andi %ne3A_468, %ne3A_463 : i1
      %add3A_470 = arith.addi %rem3A_461, %select_n3A_460 : i32
      %select_n3A_471 = arith.select %and3A_469, %add3A_470, %rem3A_461 : i32
      %mul3A_472 = arith.constant 104 : i32
      %mul3A_473 = arith.muli %select_n3A_471, %mul3A_472 : i32
      %add3A_474 = arith.addi %mul3A_455, %mul3A_473 : i32
      %dma_wait3A_475 = arith.constant 0 : i32
      %dma_wait3A_476 = arith.constant 0 : i32
      %dma_wait3A_477 = tpu.memref_slice %arg11[%dma_wait3A_475, %dma_wait3A_476] : memref<104x128xf32, #tpu.memory_space<vmem>> -> memref<96x128xf32, #tpu.memory_space<vmem>>
      %dma_wait3A_478 = tpu.memref_slice %arg6[%add3A_474] : memref<25600xi32, #tpu.memory_space<vmem>> -> memref<96xi32, #tpu.memory_space<vmem>>
      %dma_wait3A_479 = arith.constant 0 : i32
      %dma_wait3A_480 = arith.constant 0 : i32
      %dma_wait3A_481 = tpu.memref_slice %arg3[%dma_wait3A_479, %dma_wait3A_480] : memref<1000000x128xf32, #tpu.memory_space<hbm>> -> memref<1000000x128xf32, #tpu.memory_space<hbm>>
      tpu.wait_indirect_dma semaphore(%arg15 : memref<!tpu.dma_semaphore, #tpu.memory_space<semaphore_mem>>) src(%dma_wait3A_481 : memref<1000000x128xf32, #tpu.memory_space<hbm>>) dst(%dma_wait3A_477 : memref<96x128xf32, #tpu.memory_space<vmem>>)
      %add3A_482 = arith.constant 2 : i32
      %add3A_483 = arith.addi %add3A_429, %add3A_482 : i32
      %lt3A_484 = arith.constant 256 : i32
      %lt3A_485 = arith.cmpi slt, %add3A_483, %lt3A_484 : i32
      %convert_element_type3A_486 = arith.extui %lt3A_485 : i1 to i32
      %cond3A_487 = arith.constant 0 : i32
      %cond3A_488 = arith.cmpi ne, %convert_element_type3A_486, %cond3A_487 : i32
      scf.if %cond3A_488 {
        %ge3A = arith.constant 2 : i32
        %ge3A_550 = arith.cmpi sge, %add3A_429, %ge3A : i32
        %convert_element_type3A_551 = arith.extui %ge3A_550 : i1 to i32
        %cond3A_552 = arith.constant 0 : i32
        %cond3A_553 = arith.cmpi ne, %convert_element_type3A_551, %cond3A_552 : i32
        scf.if %cond3A_553 {
          %sub3A_608 = arith.constant 2 : i32
          %sub3A_609 = arith.subi %add3A_429, %sub3A_608 : i32
          %jit3A_610 = arith.constant 2 : i32
          %div3A_611 = arith.divsi %sub3A_609, %jit3A_610 : i32
          %sign3A_612 = arith.constant 0 : i32
          %sign3A_613 = arith.cmpi sgt, %sub3A_609, %sign3A_612 : i32
          %sign3A_614 = arith.extui %sign3A_613 : i1 to i32
          %sign3A_615 = arith.constant 0 : i32
          %sign3A_616 = arith.cmpi slt, %sub3A_609, %sign3A_615 : i32
          %sign3A_617 = arith.extui %sign3A_616 : i1 to i32
          %sign3A_618 = arith.subi %sign3A_614, %sign3A_617 : i32
          %sign3A_619 = arith.constant 0 : i32
          %sign3A_620 = arith.cmpi sgt, %jit3A_610, %sign3A_619 : i32
          %sign3A_621 = arith.extui %sign3A_620 : i1 to i32
          %sign3A_622 = arith.constant 0 : i32
          %sign3A_623 = arith.cmpi slt, %jit3A_610, %sign3A_622 : i32
          %sign3A_624 = arith.extui %sign3A_623 : i1 to i32
          %sign3A_625 = arith.subi %sign3A_621, %sign3A_624 : i32
          %ne3A_626 = arith.cmpi ne, %sign3A_618, %sign3A_625 : i32
          %rem3A_627 = arith.remsi %sub3A_609, %jit3A_610 : i32
          %ne3A_628 = arith.constant 0 : i32
          %ne3A_629 = arith.cmpi ne, %rem3A_627, %ne3A_628 : i32
          %and3A_630 = arith.andi %ne3A_626, %ne3A_629 : i1
          %sub3A_631 = arith.constant 1 : i32
          %sub3A_632 = arith.subi %div3A_611, %sub3A_631 : i32
          %select_n3A_633 = arith.select %and3A_630, %sub3A_632, %div3A_611 : i32
          %mul3A_634 = arith.constant 200 : i32
          %mul3A_635 = arith.muli %select_n3A_633, %mul3A_634 : i32
          %jit3A_636 = arith.constant 2 : i32
          %eq3A_637 = arith.constant 0 : i32
          %eq3A_638 = arith.cmpi eq, %jit3A_636, %eq3A_637 : i32
          %jit3A_639 = arith.constant 1 : i32
          %select_n3A_640 = arith.select %eq3A_638, %jit3A_639, %jit3A_636 : i32
          %rem3A_641 = arith.remsi %sub3A_609, %select_n3A_640 : i32
          %ne3A_642 = arith.constant 0 : i32
          %ne3A_643 = arith.cmpi ne, %rem3A_641, %ne3A_642 : i32
          %lt3A_644 = arith.constant 0 : i32
          %lt3A_645 = arith.cmpi slt, %rem3A_641, %lt3A_644 : i32
          %lt3A_646 = arith.constant 0 : i32
          %lt3A_647 = arith.cmpi slt, %select_n3A_640, %lt3A_646 : i32
          %ne3A_648 = arith.xori %lt3A_645, %lt3A_647 : i1
          %and3A_649 = arith.andi %ne3A_648, %ne3A_643 : i1
          %add3A_650 = arith.addi %rem3A_641, %select_n3A_640 : i32
          %select_n3A_651 = arith.select %and3A_649, %add3A_650, %rem3A_641 : i32
          %mul3A_652 = arith.constant 104 : i32
          %mul3A_653 = arith.muli %select_n3A_651, %mul3A_652 : i32
          %add3A_654 = arith.addi %mul3A_635, %mul3A_653 : i32
          %add3A_655 = arith.addi %mul3A_2, %add3A_654 : i32
          %dma_wait3A_656 = arith.constant 0 : i32
          %dma_wait3A_657 = arith.constant 0 : i32
          %dma_wait3A_658 = tpu.memref_slice %arg9[%dma_wait3A_656, %dma_wait3A_657] : memref<104x128xf32, #tpu.memory_space<vmem>> -> memref<96x128xf32, #tpu.memory_space<vmem>>
          %dma_wait3A_659 = arith.constant 0 : i32
          %dma_wait3A_660 = tpu.memref_slice %arg5[%add3A_655, %dma_wait3A_659] : memref<819200x128xf32, #tpu.memory_space<hbm>> -> memref<96x128xf32, #tpu.memory_space<hbm>>
          %dma_wait3A_661 = arith.constant 0 : i32
          %dma_wait3A_662 = tpu.memref_slice %arg5[%add3A_655, %dma_wait3A_661] : memref<819200x128xf32, #tpu.memory_space<hbm>> -> memref<96x128xf32, #tpu.memory_space<hbm>>
          %dma_wait3A_663 = arith.constant 0 : i32
          %dma_wait3A_664 = arith.constant 0 : i32
          %dma_wait3A_665 = tpu.memref_slice %arg9[%dma_wait3A_663, %dma_wait3A_664] : memref<104x128xf32, #tpu.memory_space<vmem>> -> memref<96x128xf32, #tpu.memory_space<vmem>>
          tpu.wait_dma2 semaphore(%arg17 : memref<!tpu.dma_semaphore, #tpu.memory_space<semaphore_mem>>) src(%dma_wait3A_665 : memref<96x128xf32, #tpu.memory_space<vmem>>) dst(%dma_wait3A_662 : memref<96x128xf32, #tpu.memory_space<hbm>>)
        } else {
        }
        %add3A_554 = arith.constant 2 : i32
        %add3A_555 = arith.addi %add3A_429, %add3A_554 : i32
        %jit3A_556 = arith.constant 2 : i32
        %div3A_557 = arith.divsi %add3A_555, %jit3A_556 : i32
        %sign3A_558 = arith.constant 0 : i32
        %sign3A_559 = arith.cmpi sgt, %add3A_555, %sign3A_558 : i32
        %sign3A_560 = arith.extui %sign3A_559 : i1 to i32
        %sign3A_561 = arith.constant 0 : i32
        %sign3A_562 = arith.cmpi slt, %add3A_555, %sign3A_561 : i32
        %sign3A_563 = arith.extui %sign3A_562 : i1 to i32
        %sign3A_564 = arith.subi %sign3A_560, %sign3A_563 : i32
        %sign3A_565 = arith.constant 0 : i32
        %sign3A_566 = arith.cmpi sgt, %jit3A_556, %sign3A_565 : i32
        %sign3A_567 = arith.extui %sign3A_566 : i1 to i32
        %sign3A_568 = arith.constant 0 : i32
        %sign3A_569 = arith.cmpi slt, %jit3A_556, %sign3A_568 : i32
        %sign3A_570 = arith.extui %sign3A_569 : i1 to i32
        %sign3A_571 = arith.subi %sign3A_567, %sign3A_570 : i32
        %ne3A_572 = arith.cmpi ne, %sign3A_564, %sign3A_571 : i32
        %rem3A_573 = arith.remsi %add3A_555, %jit3A_556 : i32
        %ne3A_574 = arith.constant 0 : i32
        %ne3A_575 = arith.cmpi ne, %rem3A_573, %ne3A_574 : i32
        %and3A_576 = arith.andi %ne3A_572, %ne3A_575 : i1
        %sub3A_577 = arith.constant 1 : i32
        %sub3A_578 = arith.subi %div3A_557, %sub3A_577 : i32
        %select_n3A_579 = arith.select %and3A_576, %sub3A_578, %div3A_557 : i32
        %mul3A_580 = arith.constant 200 : i32
        %mul3A_581 = arith.muli %select_n3A_579, %mul3A_580 : i32
        %jit3A_582 = arith.constant 2 : i32
        %eq3A_583 = arith.constant 0 : i32
        %eq3A_584 = arith.cmpi eq, %jit3A_582, %eq3A_583 : i32
        %jit3A_585 = arith.constant 1 : i32
        %select_n3A_586 = arith.select %eq3A_584, %jit3A_585, %jit3A_582 : i32
        %rem3A_587 = arith.remsi %add3A_555, %select_n3A_586 : i32
        %ne3A_588 = arith.constant 0 : i32
        %ne3A_589 = arith.cmpi ne, %rem3A_587, %ne3A_588 : i32
        %lt3A_590 = arith.constant 0 : i32
        %lt3A_591 = arith.cmpi slt, %rem3A_587, %lt3A_590 : i32
        %lt3A_592 = arith.constant 0 : i32
        %lt3A_593 = arith.cmpi slt, %select_n3A_586, %lt3A_592 : i32
        %ne3A_594 = arith.xori %lt3A_591, %lt3A_593 : i1
        %and3A_595 = arith.andi %ne3A_594, %ne3A_589 : i1
        %add3A_596 = arith.addi %rem3A_587, %select_n3A_586 : i32
        %select_n3A_597 = arith.select %and3A_595, %add3A_596, %rem3A_587 : i32
        %mul3A_598 = arith.constant 104 : i32
        %mul3A_599 = arith.muli %select_n3A_597, %mul3A_598 : i32
        %add3A_600 = arith.addi %mul3A_581, %mul3A_599 : i32
        %dma_start3A_601 = arith.constant 0 : i32
        %dma_start3A_602 = arith.constant 0 : i32
        %dma_start3A_603 = tpu.memref_slice %arg9[%dma_start3A_601, %dma_start3A_602] : memref<104x128xf32, #tpu.memory_space<vmem>> -> memref<96x128xf32, #tpu.memory_space<vmem>>
        %dma_start3A_604 = tpu.memref_slice %arg6[%add3A_600] : memref<25600xi32, #tpu.memory_space<vmem>> -> memref<96xi32, #tpu.memory_space<vmem>>
        %dma_start3A_605 = arith.constant 0 : i32
        %dma_start3A_606 = arith.constant 0 : i32
        %dma_start3A_607 = tpu.memref_slice %arg3[%dma_start3A_605, %dma_start3A_606] : memref<1000000x128xf32, #tpu.memory_space<hbm>> -> memref<1000000x128xf32, #tpu.memory_space<hbm>>
        tpu.enqueue_indirect_dma source(%dma_start3A_607 : memref<1000000x128xf32, #tpu.memory_space<hbm>>) target(%dma_start3A_603 : memref<96x128xf32, #tpu.memory_space<vmem>>) offsets(%dma_start3A_604 : memref<96xi32, #tpu.memory_space<vmem>>) semaphore(%arg13 : memref<!tpu.dma_semaphore, #tpu.memory_space<semaphore_mem>>)
      } else {
      }
      %scan3A_489 = arith.constant 0 : i32
      %scan3A_490 = arith.constant 96 : i32
      %scan3A_491 = arith.addi %scan3A_489, %scan3A_490 : i32
      %scan3A_492 = arith.constant 4 : i32
      scf.for %scan3A_550 = %scan3A_489 to %scan3A_491 step %scan3A_492  : i32 {
        %mul3A_551 = arith.constant 1 : i32
        %mul3A_552 = arith.muli %scan3A_550, %mul3A_551 : i32
        %add3A_553 = arith.constant 0 : i32
        %add3A_554 = arith.addi %add3A_553, %mul3A_552 : i32
        %add3A_555 = arith.constant 104 : i32
        %add3A_556 = arith.addi %add3A_555, %add3A_554 : i32
        %get3A = arith.index_cast %add3A_556 : i32 to index
        %get3A_557 = arith.constant 0 : index
        %get3A_558 = tpu.vector_load %arg7[%get3A, %get3A_557] {strides = array<i32>} : memref<200x64xf32, #tpu.memory_space<vmem>>, vector<1x16xf32>,
        %get3A_559 = vector.shape_cast %get3A_558 : vector<1x16xf32> to vector<16xf32>
        %swap3A = arith.index_cast %add3A_554 : i32 to index
        %swap3A_560 = arith.constant 0 : index
        %swap3A_561 = tpu.vector_load %arg11[%swap3A, %swap3A_560] {strides = array<i32>} : memref<104x128xf32, #tpu.memory_space<vmem>>, vector<1x16xf32>,
        %swap3A_562 = vector.shape_cast %swap3A_561 : vector<1x16xf32> to vector<16xf32>
        %swap3A_563 = vector.shape_cast %get3A_559 : vector<16xf32> to vector<1x16xf32>
        tpu.vector_store %arg11[%swap3A, %swap3A_560], %swap3A_563 {add = true, strides = array<i32>} : memref<104x128xf32, #tpu.memory_space<vmem>>, vector<1x16xf32>,
        %add3A_564 = arith.constant 104 : i32
        %add3A_565 = arith.addi %add3A_564, %add3A_554 : i32
        %get3A_566 = arith.index_cast %add3A_565 : i32 to index
        %get3A_567 = arith.constant 16 : index
        %get3A_568 = tpu.vector_load %arg7[%get3A_566, %get3A_567] {strides = array<i32>} : memref<200x64xf32, #tpu.memory_space<vmem>>, vector<1x16xf32>,
        %get3A_569 = vector.shape_cast %get3A_568 : vector<1x16xf32> to vector<16xf32>
        %swap3A_570 = arith.index_cast %add3A_554 : i32 to index
        %swap3A_571 = arith.constant 16 : index
        %swap3A_572 = tpu.vector_load %arg11[%swap3A_570, %swap3A_571] {strides = array<i32>} : memref<104x128xf32, #tpu.memory_space<vmem>>, vector<1x16xf32>,
        %swap3A_573 = vector.shape_cast %swap3A_572 : vector<1x16xf32> to vector<16xf32>
        %swap3A_574 = vector.shape_cast %get3A_569 : vector<16xf32> to vector<1x16xf32>
        tpu.vector_store %arg11[%swap3A_570, %swap3A_571], %swap3A_574 {add = true, strides = array<i32>} : memref<104x128xf32, #tpu.memory_space<vmem>>, vector<1x16xf32>,
        %add3A_575 = arith.constant 104 : i32
        %add3A_576 = arith.addi %add3A_575, %add3A_554 : i32
        %get3A_577 = arith.index_cast %add3A_576 : i32 to index
        %get3A_578 = arith.constant 32 : index
        %get3A_579 = tpu.vector_load %arg7[%get3A_577, %get3A_578] {strides = array<i32>} : memref<200x64xf32, #tpu.memory_space<vmem>>, vector<1x16xf32>,
        %get3A_580 = vector.shape_cast %get3A_579 : vector<1x16xf32> to vector<16xf32>
        %swap3A_581 = arith.index_cast %add3A_554 : i32 to index
        %swap3A_582 = arith.constant 32 : index
        %swap3A_583 = tpu.vector_load %arg11[%swap3A_581, %swap3A_582] {strides = array<i32>} : memref<104x128xf32, #tpu.memory_space<vmem>>, vector<1x16xf32>,
        %swap3A_584 = vector.shape_cast %swap3A_583 : vector<1x16xf32> to vector<16xf32>
        %swap3A_585 = vector.shape_cast %get3A_580 : vector<16xf32> to vector<1x16xf32>
        tpu.vector_store %arg11[%swap3A_581, %swap3A_582], %swap3A_585 {add = true, strides = array<i32>} : memref<104x128xf32, #tpu.memory_space<vmem>>, vector<1x16xf32>,
        %add3A_586 = arith.constant 104 : i32
        %add3A_587 = arith.addi %add3A_586, %add3A_554 : i32
        %get3A_588 = arith.index_cast %add3A_587 : i32 to index
        %get3A_589 = arith.constant 48 : index
        %get3A_590 = tpu.vector_load %arg7[%get3A_588, %get3A_589] {strides = array<i32>} : memref<200x64xf32, #tpu.memory_space<vmem>>, vector<1x16xf32>,
        %get3A_591 = vector.shape_cast %get3A_590 : vector<1x16xf32> to vector<16xf32>
        %swap3A_592 = arith.index_cast %add3A_554 : i32 to index
        %swap3A_593 = arith.constant 48 : index
        %swap3A_594 = tpu.vector_load %arg11[%swap3A_592, %swap3A_593] {strides = array<i32>} : memref<104x128xf32, #tpu.memory_space<vmem>>, vector<1x16xf32>,
        %swap3A_595 = vector.shape_cast %swap3A_594 : vector<1x16xf32> to vector<16xf32>
        %swap3A_596 = vector.shape_cast %get3A_591 : vector<16xf32> to vector<1x16xf32>
        tpu.vector_store %arg11[%swap3A_592, %swap3A_593], %swap3A_596 {add = true, strides = array<i32>} : memref<104x128xf32, #tpu.memory_space<vmem>>, vector<1x16xf32>,
        %scan3A_597 = arith.constant 1 : i32
        %scan3A_598 = arith.addi %scan3A_550, %scan3A_597 : i32
        %mul3A_599 = arith.constant 1 : i32
        %mul3A_600 = arith.muli %scan3A_598, %mul3A_599 : i32
        %add3A_601 = arith.constant 0 : i32
        %add3A_602 = arith.addi %add3A_601, %mul3A_600 : i32
        %add3A_603 = arith.constant 104 : i32
        %add3A_604 = arith.addi %add3A_603, %add3A_602 : i32
        %get3A_605 = arith.index_cast %add3A_604 : i32 to index
        %get3A_606 = arith.constant 0 : index
        %get3A_607 = tpu.vector_load %arg7[%get3A_605, %get3A_606] {strides = array<i32>} : memref<200x64xf32, #tpu.memory_space<vmem>>, vector<1x16xf32>,
        %get3A_608 = vector.shape_cast %get3A_607 : vector<1x16xf32> to vector<16xf32>
        %swap3A_609 = arith.index_cast %add3A_602 : i32 to index
        %swap3A_610 = arith.constant 0 : index
        %swap3A_611 = tpu.vector_load %arg11[%swap3A_609, %swap3A_610] {strides = array<i32>} : memref<104x128xf32, #tpu.memory_space<vmem>>, vector<1x16xf32>,
        %swap3A_612 = vector.shape_cast %swap3A_611 : vector<1x16xf32> to vector<16xf32>
        %swap3A_613 = vector.shape_cast %get3A_608 : vector<16xf32> to vector<1x16xf32>
        tpu.vector_store %arg11[%swap3A_609, %swap3A_610], %swap3A_613 {add = true, strides = array<i32>} : memref<104x128xf32, #tpu.memory_space<vmem>>, vector<1x16xf32>,
        %add3A_614 = arith.constant 104 : i32
        %add3A_615 = arith.addi %add3A_614, %add3A_602 : i32
        %get3A_616 = arith.index_cast %add3A_615 : i32 to index
        %get3A_617 = arith.constant 16 : index
        %get3A_618 = tpu.vector_load %arg7[%get3A_616, %get3A_617] {strides = array<i32>} : memref<200x64xf32, #tpu.memory_space<vmem>>, vector<1x16xf32>,
        %get3A_619 = vector.shape_cast %get3A_618 : vector<1x16xf32> to vector<16xf32>
        %swap3A_620 = arith.index_cast %add3A_602 : i32 to index
        %swap3A_621 = arith.constant 16 : index
        %swap3A_622 = tpu.vector_load %arg11[%swap3A_620, %swap3A_621] {strides = array<i32>} : memref<104x128xf32, #tpu.memory_space<vmem>>, vector<1x16xf32>,
        %swap3A_623 = vector.shape_cast %swap3A_622 : vector<1x16xf32> to vector<16xf32>
        %swap3A_624 = vector.shape_cast %get3A_619 : vector<16xf32> to vector<1x16xf32>
        tpu.vector_store %arg11[%swap3A_620, %swap3A_621], %swap3A_624 {add = true, strides = array<i32>} : memref<104x128xf32, #tpu.memory_space<vmem>>, vector<1x16xf32>,
        %add3A_625 = arith.constant 104 : i32
        %add3A_626 = arith.addi %add3A_625, %add3A_602 : i32
        %get3A_627 = arith.index_cast %add3A_626 : i32 to index
        %get3A_628 = arith.constant 32 : index
        %get3A_629 = tpu.vector_load %arg7[%get3A_627, %get3A_628] {strides = array<i32>} : memref<200x64xf32, #tpu.memory_space<vmem>>, vector<1x16xf32>,
        %get3A_630 = vector.shape_cast %get3A_629 : vector<1x16xf32> to vector<16xf32>
        %swap3A_631 = arith.index_cast %add3A_602 : i32 to index
        %swap3A_632 = arith.constant 32 : index
        %swap3A_633 = tpu.vector_load %arg11[%swap3A_631, %swap3A_632] {strides = array<i32>} : memref<104x128xf32, #tpu.memory_space<vmem>>, vector<1x16xf32>,
        %swap3A_634 = vector.shape_cast %swap3A_633 : vector<1x16xf32> to vector<16xf32>
        %swap3A_635 = vector.shape_cast %get3A_630 : vector<16xf32> to vector<1x16xf32>
        tpu.vector_store %arg11[%swap3A_631, %swap3A_632], %swap3A_635 {add = true, strides = array<i32>} : memref<104x128xf32, #tpu.memory_space<vmem>>, vector<1x16xf32>,
        %add3A_636 = arith.constant 104 : i32
        %add3A_637 = arith.addi %add3A_636, %add3A_602 : i32
        %get3A_638 = arith.index_cast %add3A_637 : i32 to index
        %get3A_639 = arith.constant 48 : index
        %get3A_640 = tpu.vector_load %arg7[%get3A_638, %get3A_639] {strides = array<i32>} : memref<200x64xf32, #tpu.memory_space<vmem>>, vector<1x16xf32>,
        %get3A_641 = vector.shape_cast %get3A_640 : vector<1x16xf32> to vector<16xf32>
        %swap3A_642 = arith.index_cast %add3A_602 : i32 to index
        %swap3A_643 = arith.constant 48 : index
        %swap3A_644 = tpu.vector_load %arg11[%swap3A_642, %swap3A_643] {strides = array<i32>} : memref<104x128xf32, #tpu.memory_space<vmem>>, vector<1x16xf32>,
        %swap3A_645 = vector.shape_cast %swap3A_644 : vector<1x16xf32> to vector<16xf32>
        %swap3A_646 = vector.shape_cast %get3A_641 : vector<16xf32> to vector<1x16xf32>
        tpu.vector_store %arg11[%swap3A_642, %swap3A_643], %swap3A_646 {add = true, strides = array<i32>} : memref<104x128xf32, #tpu.memory_space<vmem>>, vector<1x16xf32>,
        %scan3A_647 = arith.constant 2 : i32
        %scan3A_648 = arith.addi %scan3A_550, %scan3A_647 : i32
        %mul3A_649 = arith.constant 1 : i32
        %mul3A_650 = arith.muli %scan3A_648, %mul3A_649 : i32
        %add3A_651 = arith.constant 0 : i32
        %add3A_652 = arith.addi %add3A_651, %mul3A_650 : i32
        %add3A_653 = arith.constant 104 : i32
        %add3A_654 = arith.addi %add3A_653, %add3A_652 : i32
        %get3A_655 = arith.index_cast %add3A_654 : i32 to index
        %get3A_656 = arith.constant 0 : index
        %get3A_657 = tpu.vector_load %arg7[%get3A_655, %get3A_656] {strides = array<i32>} : memref<200x64xf32, #tpu.memory_space<vmem>>, vector<1x16xf32>,
        %get3A_658 = vector.shape_cast %get3A_657 : vector<1x16xf32> to vector<16xf32>
        %swap3A_659 = arith.index_cast %add3A_652 : i32 to index
        %swap3A_660 = arith.constant 0 : index
        %swap3A_661 = tpu.vector_load %arg11[%swap3A_659, %swap3A_660] {strides = array<i32>} : memref<104x128xf32, #tpu.memory_space<vmem>>, vector<1x16xf32>,
        %swap3A_662 = vector.shape_cast %swap3A_661 : vector<1x16xf32> to vector<16xf32>
        %swap3A_663 = vector.shape_cast %get3A_658 : vector<16xf32> to vector<1x16xf32>
        tpu.vector_store %arg11[%swap3A_659, %swap3A_660], %swap3A_663 {add = true, strides = array<i32>} : memref<104x128xf32, #tpu.memory_space<vmem>>, vector<1x16xf32>,
        %add3A_664 = arith.constant 104 : i32
        %add3A_665 = arith.addi %add3A_664, %add3A_652 : i32
        %get3A_666 = arith.index_cast %add3A_665 : i32 to index
        %get3A_667 = arith.constant 16 : index
        %get3A_668 = tpu.vector_load %arg7[%get3A_666, %get3A_667] {strides = array<i32>} : memref<200x64xf32, #tpu.memory_space<vmem>>, vector<1x16xf32>,
        %get3A_669 = vector.shape_cast %get3A_668 : vector<1x16xf32> to vector<16xf32>
        %swap3A_670 = arith.index_cast %add3A_652 : i32 to index
        %swap3A_671 = arith.constant 16 : index
        %swap3A_672 = tpu.vector_load %arg11[%swap3A_670, %swap3A_671] {strides = array<i32>} : memref<104x128xf32, #tpu.memory_space<vmem>>, vector<1x16xf32>,
        %swap3A_673 = vector.shape_cast %swap3A_672 : vector<1x16xf32> to vector<16xf32>
        %swap3A_674 = vector.shape_cast %get3A_669 : vector<16xf32> to vector<1x16xf32>
        tpu.vector_store %arg11[%swap3A_670, %swap3A_671], %swap3A_674 {add = true, strides = array<i32>} : memref<104x128xf32, #tpu.memory_space<vmem>>, vector<1x16xf32>,
        %add3A_675 = arith.constant 104 : i32
        %add3A_676 = arith.addi %add3A_675, %add3A_652 : i32
        %get3A_677 = arith.index_cast %add3A_676 : i32 to index
        %get3A_678 = arith.constant 32 : index
        %get3A_679 = tpu.vector_load %arg7[%get3A_677, %get3A_678] {strides = array<i32>} : memref<200x64xf32, #tpu.memory_space<vmem>>, vector<1x16xf32>,
        %get3A_680 = vector.shape_cast %get3A_679 : vector<1x16xf32> to vector<16xf32>
        %swap3A_681 = arith.index_cast %add3A_652 : i32 to index
        %swap3A_682 = arith.constant 32 : index
        %swap3A_683 = tpu.vector_load %arg11[%swap3A_681, %swap3A_682] {strides = array<i32>} : memref<104x128xf32, #tpu.memory_space<vmem>>, vector<1x16xf32>,
        %swap3A_684 = vector.shape_cast %swap3A_683 : vector<1x16xf32> to vector<16xf32>
        %swap3A_685 = vector.shape_cast %get3A_680 : vector<16xf32> to vector<1x16xf32>
        tpu.vector_store %arg11[%swap3A_681, %swap3A_682], %swap3A_685 {add = true, strides = array<i32>} : memref<104x128xf32, #tpu.memory_space<vmem>>, vector<1x16xf32>,
        %add3A_686 = arith.constant 104 : i32
        %add3A_687 = arith.addi %add3A_686, %add3A_652 : i32
        %get3A_688 = arith.index_cast %add3A_687 : i32 to index
        %get3A_689 = arith.constant 48 : index
        %get3A_690 = tpu.vector_load %arg7[%get3A_688, %get3A_689] {strides = array<i32>} : memref<200x64xf32, #tpu.memory_space<vmem>>, vector<1x16xf32>,
        %get3A_691 = vector.shape_cast %get3A_690 : vector<1x16xf32> to vector<16xf32>
        %swap3A_692 = arith.index_cast %add3A_652 : i32 to index
        %swap3A_693 = arith.constant 48 : index
        %swap3A_694 = tpu.vector_load %arg11[%swap3A_692, %swap3A_693] {strides = array<i32>} : memref<104x128xf32, #tpu.memory_space<vmem>>, vector<1x16xf32>,
        %swap3A_695 = vector.shape_cast %swap3A_694 : vector<1x16xf32> to vector<16xf32>
        %swap3A_696 = vector.shape_cast %get3A_691 : vector<16xf32> to vector<1x16xf32>
        tpu.vector_store %arg11[%swap3A_692, %swap3A_693], %swap3A_696 {add = true, strides = array<i32>} : memref<104x128xf32, #tpu.memory_space<vmem>>, vector<1x16xf32>,
        %scan3A_697 = arith.constant 3 : i32
        %scan3A_698 = arith.addi %scan3A_550, %scan3A_697 : i32
        %mul3A_699 = arith.constant 1 : i32
        %mul3A_700 = arith.muli %scan3A_698, %mul3A_699 : i32
        %add3A_701 = arith.constant 0 : i32
        %add3A_702 = arith.addi %add3A_701, %mul3A_700 : i32
        %add3A_703 = arith.constant 104 : i32
        %add3A_704 = arith.addi %add3A_703, %add3A_702 : i32
        %get3A_705 = arith.index_cast %add3A_704 : i32 to index
        %get3A_706 = arith.constant 0 : index
        %get3A_707 = tpu.vector_load %arg7[%get3A_705, %get3A_706] {strides = array<i32>} : memref<200x64xf32, #tpu.memory_space<vmem>>, vector<1x16xf32>,
        %get3A_708 = vector.shape_cast %get3A_707 : vector<1x16xf32> to vector<16xf32>
        %swap3A_709 = arith.index_cast %add3A_702 : i32 to index
        %swap3A_710 = arith.constant 0 : index
        %swap3A_711 = tpu.vector_load %arg11[%swap3A_709, %swap3A_710] {strides = array<i32>} : memref<104x128xf32, #tpu.memory_space<vmem>>, vector<1x16xf32>,
        %swap3A_712 = vector.shape_cast %swap3A_711 : vector<1x16xf32> to vector<16xf32>
        %swap3A_713 = vector.shape_cast %get3A_708 : vector<16xf32> to vector<1x16xf32>
        tpu.vector_store %arg11[%swap3A_709, %swap3A_710], %swap3A_713 {add = true, strides = array<i32>} : memref<104x128xf32, #tpu.memory_space<vmem>>, vector<1x16xf32>,
        %add3A_714 = arith.constant 104 : i32
        %add3A_715 = arith.addi %add3A_714, %add3A_702 : i32
        %get3A_716 = arith.index_cast %add3A_715 : i32 to index
        %get3A_717 = arith.constant 16 : index
        %get3A_718 = tpu.vector_load %arg7[%get3A_716, %get3A_717] {strides = array<i32>} : memref<200x64xf32, #tpu.memory_space<vmem>>, vector<1x16xf32>,
        %get3A_719 = vector.shape_cast %get3A_718 : vector<1x16xf32> to vector<16xf32>
        %swap3A_720 = arith.index_cast %add3A_702 : i32 to index
        %swap3A_721 = arith.constant 16 : index
        %swap3A_722 = tpu.vector_load %arg11[%swap3A_720, %swap3A_721] {strides = array<i32>} : memref<104x128xf32, #tpu.memory_space<vmem>>, vector<1x16xf32>,
        %swap3A_723 = vector.shape_cast %swap3A_722 : vector<1x16xf32> to vector<16xf32>
        %swap3A_724 = vector.shape_cast %get3A_719 : vector<16xf32> to vector<1x16xf32>
        tpu.vector_store %arg11[%swap3A_720, %swap3A_721], %swap3A_724 {add = true, strides = array<i32>} : memref<104x128xf32, #tpu.memory_space<vmem>>, vector<1x16xf32>,
        %add3A_725 = arith.constant 104 : i32
        %add3A_726 = arith.addi %add3A_725, %add3A_702 : i32
        %get3A_727 = arith.index_cast %add3A_726 : i32 to index
        %get3A_728 = arith.constant 32 : index
        %get3A_729 = tpu.vector_load %arg7[%get3A_727, %get3A_728] {strides = array<i32>} : memref<200x64xf32, #tpu.memory_space<vmem>>, vector<1x16xf32>,
        %get3A_730 = vector.shape_cast %get3A_729 : vector<1x16xf32> to vector<16xf32>
        %swap3A_731 = arith.index_cast %add3A_702 : i32 to index
        %swap3A_732 = arith.constant 32 : index
        %swap3A_733 = tpu.vector_load %arg11[%swap3A_731, %swap3A_732] {strides = array<i32>} : memref<104x128xf32, #tpu.memory_space<vmem>>, vector<1x16xf32>,
        %swap3A_734 = vector.shape_cast %swap3A_733 : vector<1x16xf32> to vector<16xf32>
        %swap3A_735 = vector.shape_cast %get3A_730 : vector<16xf32> to vector<1x16xf32>
        tpu.vector_store %arg11[%swap3A_731, %swap3A_732], %swap3A_735 {add = true, strides = array<i32>} : memref<104x128xf32, #tpu.memory_space<vmem>>, vector<1x16xf32>,
        %add3A_736 = arith.constant 104 : i32
        %add3A_737 = arith.addi %add3A_736, %add3A_702 : i32
        %get3A_738 = arith.index_cast %add3A_737 : i32 to index
        %get3A_739 = arith.constant 48 : index
        %get3A_740 = tpu.vector_load %arg7[%get3A_738, %get3A_739] {strides = array<i32>} : memref<200x64xf32, #tpu.memory_space<vmem>>, vector<1x16xf32>,
        %get3A_741 = vector.shape_cast %get3A_740 : vector<1x16xf32> to vector<16xf32>
        %swap3A_742 = arith.index_cast %add3A_702 : i32 to index
        %swap3A_743 = arith.constant 48 : index
        %swap3A_744 = tpu.vector_load %arg11[%swap3A_742, %swap3A_743] {strides = array<i32>} : memref<104x128xf32, #tpu.memory_space<vmem>>, vector<1x16xf32>,
        %swap3A_745 = vector.shape_cast %swap3A_744 : vector<1x16xf32> to vector<16xf32>
        %swap3A_746 = vector.shape_cast %get3A_741 : vector<16xf32> to vector<1x16xf32>
        tpu.vector_store %arg11[%swap3A_742, %swap3A_743], %swap3A_746 {add = true, strides = array<i32>} : memref<104x128xf32, #tpu.memory_space<vmem>>, vector<1x16xf32>,
      }
      %scan3A_493 = arith.constant 96 : i32
      %jit3A_494 = arith.constant 2 : i32
      %div3A_495 = arith.divsi %add3A_429, %jit3A_494 : i32
      %sign3A_496 = arith.constant 0 : i32
      %sign3A_497 = arith.cmpi sgt, %add3A_429, %sign3A_496 : i32
      %sign3A_498 = arith.extui %sign3A_497 : i1 to i32
      %sign3A_499 = arith.constant 0 : i32
      %sign3A_500 = arith.cmpi slt, %add3A_429, %sign3A_499 : i32
      %sign3A_501 = arith.extui %sign3A_500 : i1 to i32
      %sign3A_502 = arith.subi %sign3A_498, %sign3A_501 : i32
      %sign3A_503 = arith.constant 0 : i32
      %sign3A_504 = arith.cmpi sgt, %jit3A_494, %sign3A_503 : i32
      %sign3A_505 = arith.extui %sign3A_504 : i1 to i32
      %sign3A_506 = arith.constant 0 : i32
      %sign3A_507 = arith.cmpi slt, %jit3A_494, %sign3A_506 : i32
      %sign3A_508 = arith.extui %sign3A_507 : i1 to i32
      %sign3A_509 = arith.subi %sign3A_505, %sign3A_508 : i32
      %ne3A_510 = arith.cmpi ne, %sign3A_502, %sign3A_509 : i32
      %rem3A_511 = arith.remsi %add3A_429, %jit3A_494 : i32
      %ne3A_512 = arith.constant 0 : i32
      %ne3A_513 = arith.cmpi ne, %rem3A_511, %ne3A_512 : i32
      %and3A_514 = arith.andi %ne3A_510, %ne3A_513 : i1
      %sub3A_515 = arith.constant 1 : i32
      %sub3A_516 = arith.subi %div3A_495, %sub3A_515 : i32
      %select_n3A_517 = arith.select %and3A_514, %sub3A_516, %div3A_495 : i32
      %mul3A_518 = arith.constant 200 : i32
      %mul3A_519 = arith.muli %select_n3A_517, %mul3A_518 : i32
      %jit3A_520 = arith.constant 2 : i32
      %eq3A_521 = arith.constant 0 : i32
      %eq3A_522 = arith.cmpi eq, %jit3A_520, %eq3A_521 : i32
      %jit3A_523 = arith.constant 1 : i32
      %select_n3A_524 = arith.select %eq3A_522, %jit3A_523, %jit3A_520 : i32
      %rem3A_525 = arith.remsi %add3A_429, %select_n3A_524 : i32
      %ne3A_526 = arith.constant 0 : i32
      %ne3A_527 = arith.cmpi ne, %rem3A_525, %ne3A_526 : i32
      %lt3A_528 = arith.constant 0 : i32
      %lt3A_529 = arith.cmpi slt, %rem3A_525, %lt3A_528 : i32
      %lt3A_530 = arith.constant 0 : i32
      %lt3A_531 = arith.cmpi slt, %select_n3A_524, %lt3A_530 : i32
      %ne3A_532 = arith.xori %lt3A_529, %lt3A_531 : i1
      %and3A_533 = arith.andi %ne3A_532, %ne3A_527 : i1
      %add3A_534 = arith.addi %rem3A_525, %select_n3A_524 : i32
      %select_n3A_535 = arith.select %and3A_533, %add3A_534, %rem3A_525 : i32
      %mul3A_536 = arith.constant 104 : i32
      %mul3A_537 = arith.muli %select_n3A_535, %mul3A_536 : i32
      %add3A_538 = arith.addi %mul3A_519, %mul3A_537 : i32
      %add3A_539 = arith.addi %mul3A_2, %add3A_538 : i32
      %dma_start3A_540 = arith.constant 0 : i32
      %dma_start3A_541 = arith.constant 0 : i32
      %dma_start3A_542 = tpu.memref_slice %arg11[%dma_start3A_540, %dma_start3A_541] : memref<104x128xf32, #tpu.memory_space<vmem>> -> memref<96x128xf32, #tpu.memory_space<vmem>>
      %dma_start3A_543 = arith.constant 0 : i32
      %dma_start3A_544 = tpu.memref_slice %arg5[%add3A_539, %dma_start3A_543] : memref<819200x128xf32, #tpu.memory_space<hbm>> -> memref<96x128xf32, #tpu.memory_space<hbm>>
      %dma_start3A_545 = arith.constant 0 : i32
      %dma_start3A_546 = tpu.memref_slice %arg5[%add3A_539, %dma_start3A_545] : memref<819200x128xf32, #tpu.memory_space<hbm>> -> memref<96x128xf32, #tpu.memory_space<hbm>>
      %dma_start3A_547 = arith.constant 0 : i32
      %dma_start3A_548 = arith.constant 0 : i32
      %dma_start3A_549 = tpu.memref_slice %arg11[%dma_start3A_547, %dma_start3A_548] : memref<104x128xf32, #tpu.memory_space<vmem>> -> memref<96x128xf32, #tpu.memory_space<vmem>>
      tpu.enqueue_dma source(%dma_start3A_549 : memref<96x128xf32, #tpu.memory_space<vmem>>) target(%dma_start3A_546 : memref<96x128xf32, #tpu.memory_space<hbm>>) target_semaphore(%arg19 : memref<!tpu.dma_semaphore, #tpu.memory_space<semaphore_mem>>)
    }
    %scan3A_21 = arith.constant 64 : i32
    %add3A_22 = arith.constant 25200 : i32
    %add3A_23 = arith.addi %mul3A_2, %add3A_22 : i32
    %dma_wait3A = arith.constant 0 : i32
    %dma_wait3A_24 = arith.constant 0 : i32
    %dma_wait3A_25 = tpu.memref_slice %arg8[%dma_wait3A, %dma_wait3A_24] : memref<104x128xf32, #tpu.memory_space<vmem>> -> memref<104x128xf32, #tpu.memory_space<vmem>>
    %dma_wait3A_26 = arith.constant 0 : i32
    %dma_wait3A_27 = tpu.memref_slice %arg5[%add3A_23, %dma_wait3A_26] : memref<819200x128xf32, #tpu.memory_space<hbm>> -> memref<104x128xf32, #tpu.memory_space<hbm>>
    %dma_wait3A_28 = arith.constant 0 : i32
    %dma_wait3A_29 = tpu.memref_slice %arg5[%add3A_23, %dma_wait3A_28] : memref<819200x128xf32, #tpu.memory_space<hbm>> -> memref<104x128xf32, #tpu.memory_space<hbm>>
    %dma_wait3A_30 = arith.constant 0 : i32
    %dma_wait3A_31 = arith.constant 0 : i32
    %dma_wait3A_32 = tpu.memref_slice %arg8[%dma_wait3A_30, %dma_wait3A_31] : memref<104x128xf32, #tpu.memory_space<vmem>> -> memref<104x128xf32, #tpu.memory_space<vmem>>
    tpu.wait_dma2 semaphore(%arg16 : memref<!tpu.dma_semaphore, #tpu.memory_space<semaphore_mem>>) src(%dma_wait3A_32 : memref<104x128xf32, #tpu.memory_space<vmem>>) dst(%dma_wait3A_29 : memref<104x128xf32, #tpu.memory_space<hbm>>)
    %add3A_33 = arith.constant 25304 : i32
    %add3A_34 = arith.addi %mul3A_2, %add3A_33 : i32
    %dma_wait3A_35 = arith.constant 0 : i32
    %dma_wait3A_36 = arith.constant 0 : i32
    %dma_wait3A_37 = tpu.memref_slice %arg9[%dma_wait3A_35, %dma_wait3A_36] : memref<104x128xf32, #tpu.memory_space<vmem>> -> memref<96x128xf32, #tpu.memory_space<vmem>>
    %dma_wait3A_38 = arith.constant 0 : i32
    %dma_wait3A_39 = tpu.memref_slice %arg5[%add3A_34, %dma_wait3A_38] : memref<819200x128xf32, #tpu.memory_space<hbm>> -> memref<96x128xf32, #tpu.memory_space<hbm>>
    %dma_wait3A_40 = arith.constant 0 : i32
    %dma_wait3A_41 = tpu.memref_slice %arg5[%add3A_34, %dma_wait3A_40] : memref<819200x128xf32, #tpu.memory_space<hbm>> -> memref<96x128xf32, #tpu.memory_space<hbm>>
    %dma_wait3A_42 = arith.constant 0 : i32
    %dma_wait3A_43 = arith.constant 0 : i32
    %dma_wait3A_44 = tpu.memref_slice %arg9[%dma_wait3A_42, %dma_wait3A_43] : memref<104x128xf32, #tpu.memory_space<vmem>> -> memref<96x128xf32, #tpu.memory_space<vmem>>
    tpu.wait_dma2 semaphore(%arg17 : memref<!tpu.dma_semaphore, #tpu.memory_space<semaphore_mem>>) src(%dma_wait3A_44 : memref<96x128xf32, #tpu.memory_space<vmem>>) dst(%dma_wait3A_41 : memref<96x128xf32, #tpu.memory_space<hbm>>)
    %add3A_45 = arith.constant 25400 : i32
    %add3A_46 = arith.addi %mul3A_2, %add3A_45 : i32
    %dma_wait3A_47 = arith.constant 0 : i32
    %dma_wait3A_48 = arith.constant 0 : i32
    %dma_wait3A_49 = tpu.memref_slice %arg10[%dma_wait3A_47, %dma_wait3A_48] : memref<104x128xf32, #tpu.memory_space<vmem>> -> memref<104x128xf32, #tpu.memory_space<vmem>>
    %dma_wait3A_50 = arith.constant 0 : i32
    %dma_wait3A_51 = tpu.memref_slice %arg5[%add3A_46, %dma_wait3A_50] : memref<819200x128xf32, #tpu.memory_space<hbm>> -> memref<104x128xf32, #tpu.memory_space<hbm>>
    %dma_wait3A_52 = arith.constant 0 : i32
    %dma_wait3A_53 = tpu.memref_slice %arg5[%add3A_46, %dma_wait3A_52] : memref<819200x128xf32, #tpu.memory_space<hbm>> -> memref<104x128xf32, #tpu.memory_space<hbm>>
    %dma_wait3A_54 = arith.constant 0 : i32
    %dma_wait3A_55 = arith.constant 0 : i32
    %dma_wait3A_56 = tpu.memref_slice %arg10[%dma_wait3A_54, %dma_wait3A_55] : memref<104x128xf32, #tpu.memory_space<vmem>> -> memref<104x128xf32, #tpu.memory_space<vmem>>
    tpu.wait_dma2 semaphore(%arg18 : memref<!tpu.dma_semaphore, #tpu.memory_space<semaphore_mem>>) src(%dma_wait3A_56 : memref<104x128xf32, #tpu.memory_space<vmem>>) dst(%dma_wait3A_53 : memref<104x128xf32, #tpu.memory_space<hbm>>)
    %add3A_57 = arith.constant 25504 : i32
    %add3A_58 = arith.addi %mul3A_2, %add3A_57 : i32
    %dma_wait3A_59 = arith.constant 0 : i32
    %dma_wait3A_60 = arith.constant 0 : i32
    %dma_wait3A_61 = tpu.memref_slice %arg11[%dma_wait3A_59, %dma_wait3A_60] : memref<104x128xf32, #tpu.memory_space<vmem>> -> memref<96x128xf32, #tpu.memory_space<vmem>>
    %dma_wait3A_62 = arith.constant 0 : i32
    %dma_wait3A_63 = tpu.memref_slice %arg5[%add3A_58, %dma_wait3A_62] : memref<819200x128xf32, #tpu.memory_space<hbm>> -> memref<96x128xf32, #tpu.memory_space<hbm>>
    %dma_wait3A_64 = arith.constant 0 : i32
    %dma_wait3A_65 = tpu.memref_slice %arg5[%add3A_58, %dma_wait3A_64] : memref<819200x128xf32, #tpu.memory_space<hbm>> -> memref<96x128xf32, #tpu.memory_space<hbm>>
    %dma_wait3A_66 = arith.constant 0 : i32
    %dma_wait3A_67 = arith.constant 0 : i32
    %dma_wait3A_68 = tpu.memref_slice %arg11[%dma_wait3A_66, %dma_wait3A_67] : memref<104x128xf32, #tpu.memory_space<vmem>> -> memref<96x128xf32, #tpu.memory_space<vmem>>
    tpu.wait_dma2 semaphore(%arg19 : memref<!tpu.dma_semaphore, #tpu.memory_space<semaphore_mem>>) src(%dma_wait3A_68 : memref<96x128xf32, #tpu.memory_space<vmem>>) dst(%dma_wait3A_65 : memref<96x128xf32, #tpu.memory_space<hbm>>)
    return
  }
}

</mosaic_0001>

<sc_bundles>
// kernel: kernel.3.cloned.1.call-start
scs
__scs_entry_jumppad:
0x0: {  	(pc) =	sbr.rel $0x88, $3  }
0x1: {  	(tag) =	ssettag $0x0;
	lr =	simm.s32 $0x1  }
0x2: {  	[smem:$0x3F9E] =	sst lr;
	_ =	strace $0xD0000000  }
0x3: {  	_ = 	snop  }
0x4: {  	_ = 	snop  }
0x5: {  	_ = 	snop  }
0x6: {  	_ = 	snop  }
0x7: {  	_ = 	snop  }
__scs_overlays_trampoline_lowered:
0x8: {  	[smem:$0x3FAD] =	sst s0  }
0x9: {  	[smem:$0x3FAE] =	sst s1  }
0xa: {  	[smem:$0x3FAF] =	sst s2  }
0xb: {  	[smem:$0x3FB0] =	sst s3  }
0xc: {  	[smem:$0x3FB1] =	sst s4  }
0xd: {  	[smem:$0x3FB2] =	sst s5  }
0xe: {  	[smem:$0x3FB3] =	sst s6  }
0xf: {  	[smem:$0x3FB4] =	sst s7  }
0x10: {  	[smem:$0x3FB5] =	sst s8  }
0x11: {  	[smem:$0x3FB6] =	sst s9;
	s0 =	simm.s32 @!p0 $0x0  }
0x12: {  	s1 =	sld [smem:$0x3F9C];
	s0 =	simm.s32 @p0 $0x1  }
0x13: {  	[smem:$0x3FB7] =	sst s0;
	s0 =	simm.s32 @!p1 $0x0  }
0x14: {  	s2 =	sld [smem:$0x3F9B];
	s0 =	simm.s32 @p1 $0x1  }
0x15: {  	[smem:$0x3FB8] =	sst s0;
	s0 =	simm.s32 @!p2 $0x0  }
0x16: {  	s3 =	sld [smem:$0x3FDB];
	s0 =	simm.s32 @p2 $0x1  }
0x17: {  	s4 =	simm.s32 $0x1BF5;
	[smem:$0x3FBA] =	sst s0  }
0x18: {  	s0 =	sld [smem:$0x3F9D];
	_ =	swait.ge [sflag:s4], $0x0  }
0x19: {  	s7 =	sld [smem:$0x3F9E]  }
0x1a: {  	s8 =	sadd.s32 $0xFFFFE003, lr  }
0x1b: {  	s9 =	sadd.s32 $0xFFFFFEF7, lr;
	s5 =	simm.s32 $0xFFFFFFFF;
	p2 =	slt.u32 s8, $0xFFFFF086  }
0x1c: {  	p1 =	slt.u32 s9, $0xF7A;
	s5 =	simm.s32 @!p2 $0x0  }
0x1d: {  	s5 =	simm.s32 @p1 $0x1;
	p0 =	seq.s32 s7, s2  }
0x1e: {  	s7 =	smul.u32 @!p0 $0xF7A, s2;
	p2 =	seq.s32 @!p0 s5, $0x0  }
0x1f: {  	s9 =	smul.u32 $0xF7A, s1;
	s8 =	simm.s32 @!p0 $0x1BF5;
	p2 =	por !p2, p0  }
0x20: {  	[sflag:s8] =	ssyncset.s32 @!p0 $0xFFFFF086;
	s6 =	sadd.s32 @!p0 s3, s7;
	s7 =	simm.s32 @!p0 $0x108  }
0x21: {  	s3 =	sadd.s32 s3, s9;
	s6 =	sadd.s32 @!p0 $0x88, s6;
	s7 =	simm.s32 @p2 $0x1082  }
0x22: {  	[simem:s7], [sflag:s8] =	dma.local @!p0 [hbm:s6], $0xF7A  }
0x23: {  	s9 =	sor.u32 $0xD0000000, s2;
	s6 =	simm.s32 $0x108;
	_ =	swait.ge @!p0 [sflag:s8], $0x0  }
0x24: {  	s3 =	sadd.s32 $0x88, s3;
	s6 =	simm.s32 @!p1 $0x1082;
	[sflag:s4] =	ssyncset.s32 $0xFFFFF086  }
0x25: {  	[simem:s6], [sflag:s4] =	dma.local [hbm:s3], $0xF7A  }
0x26: {  	[smem:$0x3F9E] =	sst s1;
	(tag) =	ssettag s2;
	_ =	strace s9  }
0x27: {  	s1 =	sld [smem:$0x3FAE]  }
0x28: {  	s2 =	sld [smem:$0x3FAF]  }
0x29: {  	s4 =	sld [smem:$0x3FB1]  }
0x2a: {  	p0 =	seq.s32 s5, $0x0;
	s5 =	sld [smem:$0x3FB2]  }
0x2b: {  	s6 =	sld [smem:$0x3FB3]  }
0x2c: {  	s7 =	sld [smem:$0x3FB4]  }
0x2d: {  	s3 =	simm.s32 $0x108;
	s8 =	sld [smem:$0x3FB5]  }
0x2e: {  	s3 =	simm.s32 @!p0 $0x1082;
	s9 =	sld [smem:$0x3FB6]  }
0x2f: {  	lr =	sadd.s32 s0, s3;
	s0 =	sld [smem:$0x3FAD]  }
0x30: {  	s3 =	sld [smem:$0x3FB0]  }
0x31: {  	[smem:$0x3FB9] =	sst s10  }
0x32: {  	s10 =	sld [smem:$0x3FB7];
	_ =	sdelay $0x3  }
0x33: {  	p0 =	seq.s32 s10, $0x1;
	s10 =	sld [smem:$0x3FB9];
	_ =	sdelay $0x3  }
0x34: {  	[smem:$0x3FB9] =	sst s10  }
0x35: {  	s10 =	sld [smem:$0x3FB8];
	_ =	sdelay $0x3  }
0x36: {  	p1 =	seq.s32 s10, $0x1;
	s10 =	sld [smem:$0x3FB9];
	_ =	sdelay $0x3  }
0x37: {  	[smem:$0x3FB9] =	sst s10  }
0x38: {  	s10 =	sld [smem:$0x3FBA]  }
0x39: {  	_ = 	snop;
	(pc) =	sbr.ind lr, $3  }
0x3a: {  	_ = 	snop  }
0x3b: {  	_ = 	snop  }
0x3c: {  	p2 =	seq.s32 s10, $0x1;
	s10 =	sld [smem:$0x3FB9]  }
0x3d: {  	_ =	shalt  }
0x3e: {  	_ =	shalt  }
0x3f: {  	_ =	shalt  }
0x40: {  	_ =	shalt  }
0x41: {  	_ =	shalt  }
0x42: {  	_ =	shalt  }
0x43: {  	_ =	shalt  }
0x44: {  	_ =	shalt  }
0x45: {  	_ =	shalt  }
0x46: {  	_ =	shalt  }
0x47: {  	_ =	shalt  }
0x48: {  	_ =	shalt  }
0x49: {  	_ =	shalt  }
0x4a: {  	_ =	shalt  }
0x4b: {  	_ =	shalt  }
0x4c: {  	_ =	shalt  }
0x4d: {  	_ =	shalt  }
0x4e: {  	_ =	shalt  }
0x4f: {  	_ =	shalt  }
0x50: {  	_ =	shalt  }
0x51: {  	_ =	shalt  }
0x52: {  	_ =	shalt  }
0x53: {  	_ =	shalt  }
0x54: {  	_ =	shalt  }
0x55: {  	_ =	shalt  }
0x56: {  	_ =	shalt  }
0x57: {  	_ =	shalt  }
0x58: {  	_ =	shalt  }
0x59: {  	_ =	shalt  }
0x5a: {  	_ =	shalt  }
0x5b: {  	_ =	shalt  }
0x5c: {  	_ =	shalt  }
0x5d: {  	_ =	shalt  }
0x5e: {  	_ =	shalt  }
0x5f: {  	_ =	shalt  }
0x60: {  	_ =	shalt  }
0x61: {  	_ =	shalt  }
0x62: {  	_ =	shalt  }
0x63: {  	_ =	shalt  }
0x64: {  	_ =	shalt  }
0x65: {  	_ =	shalt  }
0x66: {  	_ =	shalt  }
0x67: {  	_ =	shalt  }
0x68: {  	_ =	shalt  }
0x69: {  	_ =	shalt  }
0x6a: {  	_ =	shalt  }
0x6b: {  	_ =	shalt  }
0x6c: {  	_ =	shalt  }
0x6d: {  	_ =	shalt  }
0x6e: {  	_ =	shalt  }
0x6f: {  	_ =	shalt  }
0x70: {  	_ =	shalt  }
0x71: {  	_ =	shalt  }
0x72: {  	_ =	shalt  }
0x73: {  	_ =	shalt  }
0x74: {  	_ =	shalt  }
0x75: {  	_ =	shalt  }
0x76: {  	_ =	shalt  }
0x77: {  	_ =	shalt  }
0x78: {  	_ =	shalt  }
0x79: {  	_ =	shalt  }
0x7a: {  	_ =	shalt  }
0x7b: {  	_ =	shalt  }
0x7c: {  	_ =	shalt  }
0x7d: {  	_ =	shalt  }
0x7e: {  	_ =	shalt  }
0x7f: {  	_ =	shalt  }
0x80: {  	_ =	shalt  }
0x81: {  	_ =	shalt  }
0x82: {  	_ =	shalt  }
0x83: {  	_ =	shalt  }
0x84: {  	_ =	shalt  }
0x85: {  	_ =	shalt  }
0x86: {  	_ =	shalt  }
0x87: {  	_ =	shalt  }
.Lfunc_end0:
.L_simem_size_0:
called_computation.1_lowered:
.L_overlay_start_0:
0x88: {  	s2 =	sld [smem:$0x3FD9]  }
0x89: {  	s3 =	sld [smem:$0x3FFE];
	_ =	sdelay $0x1  }
0x8a: {  	s1 =	srdreg.scid  }
0x8b: {  	s0 =	sand.u32 $0x1, s1  }
0x8c: {  	s17 =	sshll.u32 s0, $0xA;
	s2 =	sadd.s32 s3, s2  }
0x8d: {  	s2 =	sadd.s32 s2, s17  }
0x8e: {  	[smem:$0x3FC5] =	sst s2  }
0x8f: {  	_ = 	snop  }
0x90: {  	s2 =	sld [smem:$0x3FD0];
	(tm) =	ssettm $0x1  }
0x91: {  	s18 =	sld [smem:$0x3FFB];
	_ =	sdelay $0x3  }
0x92: {  	_ =	strace s18  }
0x93: {  	s3 =	sld [smem:$0x3FFC];
	_ =	sdelay $0x3  }
0x94: {  	_ =	strace s3  }
0x95: {  	s3 =	sld [smem:$0x3FFD];
	_ =	sdelay $0x3  }
0x96: {  	_ =	strace s3  }
0x97: {  	_ =	strace $0x8FFFFFFF  }
0x98: {  	s19 =	sld [smem:$0x3FDB];
	_ =	sdelay $0x1  }
0x99: {  	s4 =	simm.s32 $_scs_section_size  }
0x9a: {  	s5 =	simm.s32 $_size__tile_overlayer_lowered;
	s6 =	simm.s32 $_tile_overlayer_lowered  }
0x9b: {  	s22 =	simm.s32 $0x1BFF;
	s21 =	sshll.u32 s6, $0x1;
	s3 =	sadd.s32 s4, s19  }
0x9c: {  	s7 =	simm.s32 $0x0;
	s20 =	sshll.u32 s5, $0x1;
	s5 =	sadd.s32 s21, s3  }
0x9d: {  	[timem:s7], [sflag:s22] =	dma.local [hbm:s5], s20  }
0x9e: {  	_ =	swait.ge [sflag:s22], s20  }
0x9f: {  	s4 =	ssub.s32 $0x0, s20;
	[sflag:s22] =	ssyncset.done $0x0  }
0xa0: {  	[sflag:s22] =	ssyncadd.s32 s4;
	_ =	sdelay $0x1  }
0xa1: {  	s23 =	simm.s32 $0x1B8B  }
0xa2: {  	_ =	swait.ge [sflag:s23], $0x1  }
0xa3: {  	[sflag:s23] =	ssyncset.done $0x0  }
0xa4: {  	s25 =	simm.s32 $0x1B8E;
	s24 =	sld [smem:$0x3FFE];
	[sflag:s23] =	ssyncadd.s32 $0xFFFFFFFF  }
0xa5: {  	s26 =	simm.s32 $execute0_lowered;
	[smem:$0x3FD2] =	sst s25  }
0xa6: {  	s5 =	sshll.u32 s26, $0x1;
	_ =	strace $0x80000046;
	[dreg:$0x1] =	wrdreg $0xFFFFFFFF  }
0xa7: {  	s28 =	simm.s32 $_size_execute0_lowered;
	s3 =	sadd.s32 s3, s5;
	[dreg:$0x0] =	wrdreg $0x0  }
0xa8: {  	s5 =	sshll.u32 s28, $0x1;
	[dreg:$0x2] =	wrdreg s3  }
0xa9: {  	[dreg:$0x3] =	wrdreg s5  }
0xaa: {  	[dreg:$0x4] =	wrdreg $0xC0  }
0xab: {  	_ =	task [dreg:s7], $0x5FFFF  }
0xac: {  	[dreg:$0x1] =	wrdreg $0xFFFFFFFF  }
0xad: {  	[dreg:$0x0] =	wrdreg $0x60  }
0xae: {  	[dreg:$0x2] =	wrdreg s2  }
0xaf: {  	[dreg:$0x3] =	wrdreg s24  }
0xb0: {  	[dreg:$0x4] =	wrdreg $0x9  }
0xb1: {  	_ =	task.clear_ibuf [dreg:s7], $0x5FFFF;
	_ =	strace $0x90000046  }
0xb2: {  	s29 =	simm.s32 $0x9;
	_ =	strace $0x80000048  }
0xb3: {  	_ =	swait.ge [sflag:s29], $0x1  }
0xb4: {  	[sflag:s29] =	ssyncadd.s32 $0xFFFFFFFF  }
0xb5: {  	_ =	strace $0x90000048  }
0xb6: {  	_ =	sfence  }
0xb7: {  	s30 =	sld [smem:$0x0];
	_ =	sdelay $0x2  }
0xb8: {  	s31 =	sshll.u32 s1, $0xD;
	s1 =	sshrl.u32 s1, $0x2  }
0xb9: {  	s3 =	sand.u32 $0x4000, s31;
	s1 =	sadd.s32 s1, s30  }
0xba: {  	s0 =	sor.u32 s3, s0;
	s1 =	sshll.u32 s1, $0x11  }
0xbb: {  	s0 =	sor.u32 s1, s0  }
0xbc: {  	s0 =	sadd.s32 $0x8F2B, s0  }
0xbd: {  	[sflag:s0] =	ssyncadd.remote.s32 $0x1  }
0xbe: {  	_ =	sfence.sel $0xFFFF  }
0xbf: {  	[dreg:$0x0] =	wrdreg $0xFFFFFFFF;
	(pc) =	sbr.abs _section_cstart, $3  }
0xc0: {  	[dreg:$0x1] =	wrdreg $0xFFFFFFFF  }
0xc1: {  	_ =	task.clear_ibuf [dreg:s7], $0x2FFFF;
	_ =	strace $0x9FFFFFFF  }
0xc2: {  	(tm) =	ssettm $0x7FFFFFFF  }
0xc3: {  	_ =	shalt  }
tec
execute0_lowered:
.L_overlay_start_1:
0x0: {  	(tag) =	ssettag $0x1  }
0x1: {  	s0 =	rddreg [dreg:$0x0]  }
0x2: {  	s1 =	rddreg [dreg:$0x1]  }
0x3: {  	s3 =	srdreg.scid;
	s4 =	stileid.u32  }
0x4: {  	s2 =	simm.s32 $0x0;
	s10 =	simm.s32 $0x9;
	s12 =	simm.s32 $0x68  }
0x5: {  	s13 =	simm.s32 $0xC800;
	s14 =	simm.s32 $0x60;
	s15 =	simm.s32 $0xFC00  }
0x6: {  	s16 =	simm.s32 $0x1;
	s17 =	simm.s32 $0x13000;
	s18 =	simm.s32 $0x2  }
0x7: {  	s19 =	simm.s32 $0x16400;
	s20 =	simm.s32 $0x3;
	s21 =	simm.s32 $0x4  }
0x8: {  	s22 =	simm.s32 $0x5;
	s23 =	simm.s32 $0x6;
	s24 =	simm.s32 $0x7  }
0x9: {  	s25 =	simm.s32 $0x8;
	s6 =	sand.u32 $0x1, s3;
	s30 =	sshll.u32 s4, $0x1  }
0xa: {  	s26 =	simm.s32 $0x0;
	[smem:$0x7FF] =	sst s2;
	s3 =	sor.u32 s6, s30  }
0xb: {  	s4 =	sadd.s32 $0xF43E00, s1;
	s7 =	ssub.s32 $0x2, s6;
	s3 =	smul.u32 $0x6400, s3  }
0xc: {  	s5 =	sadd.s32 $0xF43000, s1;
	_ =	strace $0x80000047;
	s31 =	sshrl.u32 s7, $0x1  }
0xd: {  	s6 =	sadd.s32 $0xC00, s1;
	s1 =	ssub.s32 s7, s31;
	s8 =	sshrl.u32 s3, $0x3  }
0xe: {  	s9 =	smax.u32 s1, $0x1;
	s7 =	sadd.s32 s0, s8;
	s8 =	sor.u32 $0x68, s3  }
.LBB2_1:
0xf: {  	[tilespmem:s2], [sflag:$0x9] =	stream.linear.gather [hbm4b:s7+s2], $0x6400, $0x38;
	[tilespmem:$0x19800] =	vst v63  }
0x10: {  	_ =	swait.ge [sflag:s10], $0x6400  }
0x11: {  	[sflag:s10] =	ssyncset.done $0x0  }
0x12: {  	s0 =	simm.s32 $0x6400;
	[sflag:s10] =	ssyncadd.s32 $0xFFFF9C00  }
0x13: {  	[tilespmem:s0], [sflag:$0x9] =	stream.linear.gather [hbm4b:s5+s2], $0x6400, $0x38;
	[tilespmem:$0x19800] =	vst v63  }
0x14: {  	_ =	swait.ge [sflag:s10], $0x6400  }
0x15: {  	[sflag:s10] =	ssyncset.done $0x0  }
0x16: {  	[sflag:s10] =	ssyncadd.s32 $0xFFFF9C00  }
0x17: {  	[tilespmem:s13], [sflag:$0x1] =	stream.indirect.gather [hbm4b:s4+s12], $0x80, s2, s12, $0xb8;
	[tilespmem:$0x19800] =	vst v63  }
0x18: {  	s28 =	simm.s32 $0x0  }
0x19: {  	[tilespmem:s15], [sflag:$0x2] =	stream.indirect.gather [hbm4b:s4+s14], $0x80, s12, s14, $0xb8;
	[tilespmem:$0x19800] =	vst v63  }
.LBB2_2:
0x1a: {  	_ =	swait.ge [sflag:s16], $0x3400  }
0x1b: {  	p0 =	seq.s32 s28, $0x0;
	[sflag:s16] =	ssyncset.done $0x0  }
0x1c: {  	s29 =	sshllo.u32 s28, $0x1;
	s0 =	simm.s32 @!p0 $0x7;
	[sflag:s16] =	ssyncadd.s32 $0xFFFFCC00  }
0x1d: {  	s1 =	smul.u32 $0x320, s29;
	_ =	swait.ge @!p0 [sflag:s0], $0x3400  }
0x1e: {  	[sflag:s0] =	ssyncset.done @!p0 $0x0  }
0x1f: {  	s31 =	sshra.s32 s1, $0x2;
	s1 =	simm.s32 $0x0;
	[sflag:s0] =	ssyncadd.s32 @!p0 $0xFFFFCC00  }
0x20: {  	[tilespmem:s17], [sflag:$0x3] =	stream.indirect.gather [hbm4b:s4+s12], $0x80, s31, s12, $0xb8;
	[tilespmem:$0x19800] =	vst v63  }
0x21: {  	v0 =	vld [tilespmem:s1+$0x65B0]  }
0x22: {  	v1 =	vld [tilespmem:s1+$0x6400]  }
0x23: {  	v2 =	vld [tilespmem:s1+$0x6410]  }
0x24: {  	v3 =	vld [tilespmem:s1+$0x6420]  }
0x25: {  	v4 =	vld [tilespmem:s1+$0x6430]  }
0x26: {  	v5 =	vld [tilespmem:s1+$0x6480]  }
0x27: {  	v6 =	vld [tilespmem:s1+$0x6490]  }
0x28: {  	v7 =	vld [tilespmem:s1+$0x64A0]  }
0x29: {  	v8 =	vld [tilespmem:s1+$0x64B0]  }
0x2a: {  	v9 =	vld [tilespmem:s1+$0x6500]  }
0x2b: {  	v10 =	vld [tilespmem:s1+$0x6510]  }
0x2c: {  	v11 =	vld [tilespmem:s1+$0x6520]  }
0x2d: {  	v12 =	vld [tilespmem:s1+$0x6530]  }
0x2e: {  	v13 =	vld [tilespmem:s1+$0x6580]  }
0x2f: {  	v14 =	vld [tilespmem:s1+$0x6590]  }
0x30: {  	[tilespmem:s1+$0xC9B0] =	vst.add.f32.msk $0xffff, v0  }
0x31: {  	v0 =	vld [tilespmem:s1+$0x65A0]  }
0x32: {  	[tilespmem:s1+$0xC800] =	vst.add.f32.msk $0xffff, v1  }
0x33: {  	[tilespmem:s1+$0xC810] =	vst.add.f32.msk $0xffff, v2  }
0x34: {  	[tilespmem:s1+$0xC820] =	vst.add.f32.msk $0xffff, v3  }
0x35: {  	[tilespmem:s1+$0xC830] =	vst.add.f32.msk $0xffff, v4  }
0x36: {  	[tilespmem:s1+$0xC880] =	vst.add.f32.msk $0xffff, v5  }
0x37: {  	[tilespmem:s1+$0xC890] =	vst.add.f32.msk $0xffff, v6  }
0x38: {  	[tilespmem:s1+$0xC8A0] =	vst.add.f32.msk $0xffff, v7  }
0x39: {  	[tilespmem:s1+$0xC8B0] =	vst.add.f32.msk $0xffff, v8  }
0x3a: {  	[tilespmem:s1+$0xC900] =	vst.add.f32.msk $0xffff, v9  }
0x3b: {  	[tilespmem:s1+$0xC910] =	vst.add.f32.msk $0xffff, v10  }
0x3c: {  	[tilespmem:s1+$0xC920] =	vst.add.f32.msk $0xffff, v11  }
0x3d: {  	[tilespmem:s1+$0xC930] =	vst.add.f32.msk $0xffff, v12  }
0x3e: {  	[tilespmem:s1+$0xC980] =	vst.add.f32.msk $0xffff, v13  }
0x3f: {  	s30 =	sshll.u32 s28, $0x2;
	s11 =	simm.s32 $0x800;
	s0 =	simm.s32 $0x0;
	[tilespmem:s1+$0xC990] =	vst.add.f32.msk $0xffff, v14  }
.LBB2_3:
0x40: {  	s0 =	sadd.s32 $0x4, s0;
	[tilespmem:s1+$0xC9A0] =	vst.add.f32.msk $0xffff, v0;
	s1 =	sshra.s32 s11, $0x2  }
0x41: {  	v0 =	vld [tilespmem:s1+$0x65B0];
	p1 =	slt.u32 s0, $0x64  }
0x42: {  	v1 =	vld [tilespmem:s1+$0x6400]  }
0x43: {  	v2 =	vld [tilespmem:s1+$0x6410]  }
0x44: {  	v3 =	vld [tilespmem:s1+$0x6420]  }
0x45: {  	v4 =	vld [tilespmem:s1+$0x6430]  }
0x46: {  	[tilespmem:s1+$0xC9B0] =	vst.add.f32.msk $0xffff, v0  }
0x47: {  	v5 =	vld [tilespmem:s1+$0x6480]  }
0x48: {  	v6 =	vld [tilespmem:s1+$0x6490]  }
0x49: {  	v7 =	vld [tilespmem:s1+$0x64A0]  }
0x4a: {  	v8 =	vld [tilespmem:s1+$0x64B0]  }
0x4b: {  	v9 =	vld [tilespmem:s1+$0x6500]  }
0x4c: {  	v10 =	vld [tilespmem:s1+$0x6510]  }
0x4d: {  	v11 =	vld [tilespmem:s1+$0x6520]  }
0x4e: {  	v12 =	vld [tilespmem:s1+$0x6530]  }
0x4f: {  	v13 =	vld [tilespmem:s1+$0x6580]  }
0x50: {  	v14 =	vld [tilespmem:s1+$0x6590]  }
0x51: {  	v0 =	vld [tilespmem:s1+$0x65A0]  }
0x52: {  	[tilespmem:s1+$0xC800] =	vst.add.f32.msk $0xffff, v1  }
0x53: {  	[tilespmem:s1+$0xC810] =	vst.add.f32.msk $0xffff, v2  }
0x54: {  	[tilespmem:s1+$0xC820] =	vst.add.f32.msk $0xffff, v3  }
0x55: {  	[tilespmem:s1+$0xC830] =	vst.add.f32.msk $0xffff, v4  }
0x56: {  	[tilespmem:s1+$0xC880] =	vst.add.f32.msk $0xffff, v5  }
0x57: {  	[tilespmem:s1+$0xC890] =	vst.add.f32.msk $0xffff, v6  }
0x58: {  	[tilespmem:s1+$0xC8A0] =	vst.add.f32.msk $0xffff, v7  }
0x59: {  	[tilespmem:s1+$0xC8B0] =	vst.add.f32.msk $0xffff, v8  }
0x5a: {  	[tilespmem:s1+$0xC900] =	vst.add.f32.msk $0xffff, v9  }
.Ltmp0:
0x5b: {  	[tilespmem:s1+$0xC910] =	vst.add.f32.msk $0xffff, v10;
	(pc) =	sbr.rel @p1 .LBB2_3-.Ltmp0, $4  }
0x5c: {  	[tilespmem:s1+$0xC920] =	vst.add.f32.msk $0xffff, v11  }
0x5d: {  	[tilespmem:s1+$0xC930] =	vst.add.f32.msk $0xffff, v12  }
0x5e: {  	[tilespmem:s1+$0xC980] =	vst.add.f32.msk $0xffff, v13  }
0x5f: {  	s11 =	sadd.s32 $0x800, s11;
	[tilespmem:s1+$0xC990] =	vst.add.f32.msk $0xffff, v14  }
0x60: {  	s0 =	smul.u32 $0x190, s28;
	_ =	sdelay $0x1  }
0x61: {  	s11 =	sadd.s32 s3, s0  }
0x62: {  	s11 =	sshll.u32 s11, $0x4  }
0x63: {  	[tilespmem:s1+$0xC9A0] =	vst.add.f32.msk $0xffff, v0;
	s11 =	sadd.s32 s6, s11  }
0x64: {  	[hbm4b:s11+s2] =	stream.linear.scatter [tilespmem:s13], [sflag:$0x5], $0x3400, $0x38;
	[tilespmem:$0x19800] =	vst v63  }
0x65: {  	_ =	swait.ge [sflag:s18], $0x3000  }
0x66: {  	[sflag:s18] =	ssyncset.done $0x0  }
0x67: {  	s1 =	simm.s32 @!p0 $0x8;
	[sflag:s18] =	ssyncadd.s32 $0xFFFFD000  }
0x68: {  	_ =	swait.ge @!p0 [sflag:s1], $0x3000  }
0x69: {  	[sflag:s1] =	ssyncset.done @!p0 $0x0  }
0x6a: {  	s11 =	sadd.s32 $0x68, s31;
	[sflag:s1] =	ssyncadd.s32 @!p0 $0xFFFFD000;
	s1 =	simm.s32 $0x0  }
0x6b: {  	[tilespmem:s19], [sflag:$0x4] =	stream.indirect.gather [hbm4b:s4+s14], $0x80, s11, s14, $0xb8;
	[tilespmem:$0x19800] =	vst v63  }
0x6c: {  	v0 =	vld [tilespmem:s1+$0x99B0]  }
0x6d: {  	v1 =	vld [tilespmem:s1+$0x9800]  }
0x6e: {  	v2 =	vld [tilespmem:s1+$0x9810]  }
0x6f: {  	v3 =	vld [tilespmem:s1+$0x9820]  }
0x70: {  	v4 =	vld [tilespmem:s1+$0x9830]  }
0x71: {  	v5 =	vld [tilespmem:s1+$0x9880]  }
0x72: {  	v6 =	vld [tilespmem:s1+$0x9890]  }
0x73: {  	v7 =	vld [tilespmem:s1+$0x98A0]  }
0x74: {  	v8 =	vld [tilespmem:s1+$0x98B0]  }
0x75: {  	v9 =	vld [tilespmem:s1+$0x9900]  }
0x76: {  	v10 =	vld [tilespmem:s1+$0x9910]  }
0x77: {  	v11 =	vld [tilespmem:s1+$0x9920]  }
0x78: {  	v12 =	vld [tilespmem:s1+$0x9930]  }
0x79: {  	v13 =	vld [tilespmem:s1+$0x9980]  }
0x7a: {  	v14 =	vld [tilespmem:s1+$0x9990]  }
0x7b: {  	[tilespmem:s1+$0xFDB0] =	vst.add.f32.msk $0xffff, v0  }
0x7c: {  	v0 =	vld [tilespmem:s1+$0x99A0]  }
0x7d: {  	[tilespmem:s1+$0xFC00] =	vst.add.f32.msk $0xffff, v1  }
0x7e: {  	[tilespmem:s1+$0xFC10] =	vst.add.f32.msk $0xffff, v2  }
0x7f: {  	[tilespmem:s1+$0xFC20] =	vst.add.f32.msk $0xffff, v3  }
0x80: {  	[tilespmem:s1+$0xFC30] =	vst.add.f32.msk $0xffff, v4  }
0x81: {  	[tilespmem:s1+$0xFC80] =	vst.add.f32.msk $0xffff, v5  }
0x82: {  	[tilespmem:s1+$0xFC90] =	vst.add.f32.msk $0xffff, v6  }
0x83: {  	[tilespmem:s1+$0xFCA0] =	vst.add.f32.msk $0xffff, v7  }
0x84: {  	[tilespmem:s1+$0xFCB0] =	vst.add.f32.msk $0xffff, v8  }
0x85: {  	[tilespmem:s1+$0xFD00] =	vst.add.f32.msk $0xffff, v9  }
0x86: {  	[tilespmem:s1+$0xFD10] =	vst.add.f32.msk $0xffff, v10  }
0x87: {  	[tilespmem:s1+$0xFD20] =	vst.add.f32.msk $0xffff, v11  }
0x88: {  	[tilespmem:s1+$0xFD30] =	vst.add.f32.msk $0xffff, v12  }
0x89: {  	[tilespmem:s1+$0xFD80] =	vst.add.f32.msk $0xffff, v13  }
0x8a: {  	s31 =	simm.s32 $0x0;
	s11 =	simm.s32 $0x800;
	[tilespmem:s1+$0xFD90] =	vst.add.f32.msk $0xffff, v14  }
.LBB2_5:
0x8b: {  	s31 =	sadd.s32 $0x4, s31;
	[tilespmem:s1+$0xFDA0] =	vst.add.f32.msk $0xffff, v0;
	s1 =	sshra.s32 s11, $0x2  }
0x8c: {  	v0 =	vld [tilespmem:s1+$0x99B0];
	p0 =	slt.u32 s31, $0x5C  }
0x8d: {  	v1 =	vld [tilespmem:s1+$0x9800]  }
0x8e: {  	v2 =	vld [tilespmem:s1+$0x9810]  }
0x8f: {  	v3 =	vld [tilespmem:s1+$0x9820]  }
0x90: {  	v4 =	vld [tilespmem:s1+$0x9830]  }
0x91: {  	[tilespmem:s1+$0xFDB0] =	vst.add.f32.msk $0xffff, v0  }
0x92: {  	v5 =	vld [tilespmem:s1+$0x9880]  }
0x93: {  	v6 =	vld [tilespmem:s1+$0x9890]  }
0x94: {  	v7 =	vld [tilespmem:s1+$0x98A0]  }
0x95: {  	v8 =	vld [tilespmem:s1+$0x98B0]  }
0x96: {  	v9 =	vld [tilespmem:s1+$0x9900]  }
0x97: {  	v10 =	vld [tilespmem:s1+$0x9910]  }
0x98: {  	v11 =	vld [tilespmem:s1+$0x9920]  }
0x99: {  	v12 =	vld [tilespmem:s1+$0x9930]  }
0x9a: {  	v13 =	vld [tilespmem:s1+$0x9980]  }
0x9b: {  	v14 =	vld [tilespmem:s1+$0x9990]  }
0x9c: {  	v0 =	vld [tilespmem:s1+$0x99A0]  }
0x9d: {  	[tilespmem:s1+$0xFC00] =	vst.add.f32.msk $0xffff, v1  }
0x9e: {  	[tilespmem:s1+$0xFC10] =	vst.add.f32.msk $0xffff, v2  }
0x9f: {  	[tilespmem:s1+$0xFC20] =	vst.add.f32.msk $0xffff, v3  }
0xa0: {  	[tilespmem:s1+$0xFC30] =	vst.add.f32.msk $0xffff, v4  }
0xa1: {  	[tilespmem:s1+$0xFC80] =	vst.add.f32.msk $0xffff, v5  }
0xa2: {  	[tilespmem:s1+$0xFC90] =	vst.add.f32.msk $0xffff, v6  }
0xa3: {  	[tilespmem:s1+$0xFCA0] =	vst.add.f32.msk $0xffff, v7  }
0xa4: {  	[tilespmem:s1+$0xFCB0] =	vst.add.f32.msk $0xffff, v8  }
0xa5: {  	[tilespmem:s1+$0xFD00] =	vst.add.f32.msk $0xffff, v9  }
.Ltmp1:
0xa6: {  	[tilespmem:s1+$0xFD10] =	vst.add.f32.msk $0xffff, v10;
	(pc) =	sbr.rel @p0 .LBB2_5-.Ltmp1, $4  }
0xa7: {  	[tilespmem:s1+$0xFD20] =	vst.add.f32.msk $0xffff, v11  }
0xa8: {  	[tilespmem:s1+$0xFD30] =	vst.add.f32.msk $0xffff, v12  }
0xa9: {  	[tilespmem:s1+$0xFD80] =	vst.add.f32.msk $0xffff, v13  }
0xaa: {  	s11 =	sadd.s32 $0x800, s11;
	[tilespmem:s1+$0xFD90] =	vst.add.f32.msk $0xffff, v14  }
0xab: {  	s0 =	sadd.s32 s0, s8  }
0xac: {  	s0 =	sshll.u32 s0, $0x4  }
0xad: {  	[tilespmem:s1+$0xFDA0] =	vst.add.f32.msk $0xffff, v0;
	s0 =	sadd.s32 s6, s0  }
0xae: {  	[hbm4b:s0+s2] =	stream.linear.scatter [tilespmem:s15], [sflag:$0x6], $0x3000, $0x38;
	[tilespmem:$0x19800] =	vst v63  }
0xaf: {  	p0 =	seq.s32 s28, $0x3F;
	s0 =	sadd.s32 $0x4, s30;
	_ =	swait.ge [sflag:s20], $0x3400  }
0xb0: {  	s0 =	sshrl.u32 @!p0 s0, $0x1;
	[sflag:s20] =	ssyncset.done $0x0  }
0xb1: {  	s1 =	simm.s32 @!p0 $0x5;
	s0 =	smul.u32 @!p0 $0x320, s0;
	[sflag:s20] =	ssyncadd.s32 $0xFFFFCC00  }
0xb2: {  	_ =	swait.ge @!p0 [sflag:s1], $0x3400  }
0xb3: {  	s30 =	sshra.s32 @!p0 s0, $0x2;
	[sflag:s1] =	ssyncset.done @!p0 $0x0  }
0xb4: {  	s0 =	simm.s32 @!p0 $0x68;
	[sflag:s1] =	ssyncadd.s32 @!p0 $0xFFFFCC00;
	s1 =	simm.s32 @!p0 $0xC800  }
0xb5: {  	[tilespmem:s1], [sflag:$0x1] =	stream.indirect.gather @!p0 [hbm4b:s4+s0], $0x80, s30, s0, $0xb8;
	[tilespmem:$0x19800] =	vst v63  }
0xb6: {  	s0 =	simm.s32 $0x0  }
0xb7: {  	v0 =	vld [tilespmem:s0+$0x65B0]  }
0xb8: {  	v1 =	vld [tilespmem:s0+$0x6400]  }
0xb9: {  	v2 =	vld [tilespmem:s0+$0x6410]  }
0xba: {  	v3 =	vld [tilespmem:s0+$0x6420]  }
0xbb: {  	v4 =	vld [tilespmem:s0+$0x6430]  }
0xbc: {  	v5 =	vld [tilespmem:s0+$0x6480]  }
0xbd: {  	v6 =	vld [tilespmem:s0+$0x6490]  }
0xbe: {  	v7 =	vld [tilespmem:s0+$0x64A0]  }
0xbf: {  	v8 =	vld [tilespmem:s0+$0x64B0]  }
0xc0: {  	v9 =	vld [tilespmem:s0+$0x6500]  }
0xc1: {  	v10 =	vld [tilespmem:s0+$0x6510]  }
0xc2: {  	v11 =	vld [tilespmem:s0+$0x6520]  }
0xc3: {  	v12 =	vld [tilespmem:s0+$0x6530]  }
0xc4: {  	v13 =	vld [tilespmem:s0+$0x6580]  }
0xc5: {  	v14 =	vld [tilespmem:s0+$0x6590]  }
0xc6: {  	[tilespmem:s0+$0x131B0] =	vst.add.f32.msk $0xffff, v0  }
0xc7: {  	v0 =	vld [tilespmem:s0+$0x65A0]  }
0xc8: {  	[tilespmem:s0+$0x13000] =	vst.add.f32.msk $0xffff, v1  }
0xc9: {  	[tilespmem:s0+$0x13010] =	vst.add.f32.msk $0xffff, v2  }
0xca: {  	[tilespmem:s0+$0x13020] =	vst.add.f32.msk $0xffff, v3  }
0xcb: {  	[tilespmem:s0+$0x13030] =	vst.add.f32.msk $0xffff, v4  }
0xcc: {  	[tilespmem:s0+$0x13080] =	vst.add.f32.msk $0xffff, v5  }
0xcd: {  	[tilespmem:s0+$0x13090] =	vst.add.f32.msk $0xffff, v6  }
0xce: {  	[tilespmem:s0+$0x130A0] =	vst.add.f32.msk $0xffff, v7  }
0xcf: {  	[tilespmem:s0+$0x130B0] =	vst.add.f32.msk $0xffff, v8  }
0xd0: {  	[tilespmem:s0+$0x13100] =	vst.add.f32.msk $0xffff, v9  }
0xd1: {  	[tilespmem:s0+$0x13110] =	vst.add.f32.msk $0xffff, v10  }
0xd2: {  	[tilespmem:s0+$0x13120] =	vst.add.f32.msk $0xffff, v11  }
0xd3: {  	[tilespmem:s0+$0x13130] =	vst.add.f32.msk $0xffff, v12  }
0xd4: {  	[tilespmem:s0+$0x13180] =	vst.add.f32.msk $0xffff, v13  }
0xd5: {  	s11 =	simm.s32 $0x800;
	s1 =	simm.s32 $0x0;
	[tilespmem:s0+$0x13190] =	vst.add.f32.msk $0xffff, v14  }
.LBB2_7:
0xd6: {  	s1 =	sadd.s32 $0x4, s1;
	[tilespmem:s0+$0x131A0] =	vst.add.f32.msk $0xffff, v0;
	s0 =	sshra.s32 s11, $0x2  }
0xd7: {  	v0 =	vld [tilespmem:s0+$0x65B0];
	p1 =	slt.u32 s1, $0x64  }
0xd8: {  	v1 =	vld [tilespmem:s0+$0x6400]  }
0xd9: {  	v2 =	vld [tilespmem:s0+$0x6410]  }
0xda: {  	v3 =	vld [tilespmem:s0+$0x6420]  }
0xdb: {  	v4 =	vld [tilespmem:s0+$0x6430]  }
0xdc: {  	[tilespmem:s0+$0x131B0] =	vst.add.f32.msk $0xffff, v0  }
0xdd: {  	v5 =	vld [tilespmem:s0+$0x6480]  }
0xde: {  	v6 =	vld [tilespmem:s0+$0x6490]  }
0xdf: {  	v7 =	vld [tilespmem:s0+$0x64A0]  }
0xe0: {  	v8 =	vld [tilespmem:s0+$0x64B0]  }
0xe1: {  	v9 =	vld [tilespmem:s0+$0x6500]  }
0xe2: {  	v10 =	vld [tilespmem:s0+$0x6510]  }
0xe3: {  	v11 =	vld [tilespmem:s0+$0x6520]  }
0xe4: {  	v12 =	vld [tilespmem:s0+$0x6530]  }
0xe5: {  	v13 =	vld [tilespmem:s0+$0x6580]  }
0xe6: {  	v14 =	vld [tilespmem:s0+$0x6590]  }
0xe7: {  	v0 =	vld [tilespmem:s0+$0x65A0]  }
0xe8: {  	[tilespmem:s0+$0x13000] =	vst.add.f32.msk $0xffff, v1  }
0xe9: {  	[tilespmem:s0+$0x13010] =	vst.add.f32.msk $0xffff, v2  }
0xea: {  	[tilespmem:s0+$0x13020] =	vst.add.f32.msk $0xffff, v3  }
0xeb: {  	[tilespmem:s0+$0x13030] =	vst.add.f32.msk $0xffff, v4  }
0xec: {  	[tilespmem:s0+$0x13080] =	vst.add.f32.msk $0xffff, v5  }
0xed: {  	[tilespmem:s0+$0x13090] =	vst.add.f32.msk $0xffff, v6  }
0xee: {  	[tilespmem:s0+$0x130A0] =	vst.add.f32.msk $0xffff, v7  }
0xef: {  	[tilespmem:s0+$0x130B0] =	vst.add.f32.msk $0xffff, v8  }
0xf0: {  	[tilespmem:s0+$0x13100] =	vst.add.f32.msk $0xffff, v9  }
.Ltmp2:
0xf1: {  	[tilespmem:s0+$0x13110] =	vst.add.f32.msk $0xffff, v10;
	(pc) =	sbr.rel @p1 .LBB2_7-.Ltmp2, $4  }
0xf2: {  	[tilespmem:s0+$0x13120] =	vst.add.f32.msk $0xffff, v11  }
0xf3: {  	[tilespmem:s0+$0x13130] =	vst.add.f32.msk $0xffff, v12  }
0xf4: {  	[tilespmem:s0+$0x13180] =	vst.add.f32.msk $0xffff, v13  }
0xf5: {  	s11 =	sadd.s32 $0x800, s11;
	[tilespmem:s0+$0x13190] =	vst.add.f32.msk $0xffff, v14  }
0xf6: {  	s29 =	smul.u32 $0xC8, s29;
	_ =	sdelay $0x1  }
0xf7: {  	s1 =	sadd.s32 s3, s29  }
0xf8: {  	s1 =	sshll.u32 s1, $0x4  }
0xf9: {  	[tilespmem:s0+$0x131A0] =	vst.add.f32.msk $0xffff, v0;
	s31 =	sadd.s32 s6, s1  }
0xfa: {  	[hbm4b:s31+s2] =	stream.linear.scatter [tilespmem:s17], [sflag:$0x7], $0x3400, $0x38;
	[tilespmem:$0x19800] =	vst v63  }
0xfb: {  	_ =	swait.ge [sflag:s21], $0x3000  }
0xfc: {  	[sflag:s21] =	ssyncset.done $0x0  }
0xfd: {  	s0 =	simm.s32 @!p0 $0x6;
	[sflag:s21] =	ssyncadd.s32 $0xFFFFD000  }
0xfe: {  	_ =	swait.ge @!p0 [sflag:s0], $0x3000  }
0xff: {  	s11 =	simm.s32 @!p0 $0xFC00;
	[sflag:s0] =	ssyncset.done @!p0 $0x0  }
0x100: {  	s1 =	simm.s32 @!p0 $0x60;
	[sflag:s0] =	ssyncadd.s32 @!p0 $0xFFFFD000;
	s0 =	sadd.s32 @!p0 $0x68, s30  }
0x101: {  	[tilespmem:s11], [sflag:$0x2] =	stream.indirect.gather @!p0 [hbm4b:s4+s1], $0x80, s0, s1, $0xb8;
	[tilespmem:$0x19800] =	vst v63  }
0x102: {  	s0 =	simm.s32 $0x0  }
0x103: {  	v0 =	vld [tilespmem:s0+$0x99B0]  }
0x104: {  	v1 =	vld [tilespmem:s0+$0x9800]  }
0x105: {  	v2 =	vld [tilespmem:s0+$0x9810]  }
0x106: {  	v3 =	vld [tilespmem:s0+$0x9820]  }
0x107: {  	v4 =	vld [tilespmem:s0+$0x9830]  }
0x108: {  	v5 =	vld [tilespmem:s0+$0x9880]  }
0x109: {  	v6 =	vld [tilespmem:s0+$0x9890]  }
0x10a: {  	v7 =	vld [tilespmem:s0+$0x98A0]  }
0x10b: {  	v8 =	vld [tilespmem:s0+$0x98B0]  }
0x10c: {  	v9 =	vld [tilespmem:s0+$0x9900]  }
0x10d: {  	v10 =	vld [tilespmem:s0+$0x9910]  }
0x10e: {  	v11 =	vld [tilespmem:s0+$0x9920]  }
0x10f: {  	v12 =	vld [tilespmem:s0+$0x9930]  }
0x110: {  	v13 =	vld [tilespmem:s0+$0x9980]  }
0x111: {  	v14 =	vld [tilespmem:s0+$0x9990]  }
0x112: {  	[tilespmem:s0+$0x165B0] =	vst.add.f32.msk $0xffff, v0  }
0x113: {  	v0 =	vld [tilespmem:s0+$0x99A0]  }
0x114: {  	[tilespmem:s0+$0x16400] =	vst.add.f32.msk $0xffff, v1  }
0x115: {  	[tilespmem:s0+$0x16410] =	vst.add.f32.msk $0xffff, v2  }
0x116: {  	[tilespmem:s0+$0x16420] =	vst.add.f32.msk $0xffff, v3  }
0x117: {  	[tilespmem:s0+$0x16430] =	vst.add.f32.msk $0xffff, v4  }
0x118: {  	[tilespmem:s0+$0x16480] =	vst.add.f32.msk $0xffff, v5  }
0x119: {  	[tilespmem:s0+$0x16490] =	vst.add.f32.msk $0xffff, v6  }
0x11a: {  	[tilespmem:s0+$0x164A0] =	vst.add.f32.msk $0xffff, v7  }
0x11b: {  	[tilespmem:s0+$0x164B0] =	vst.add.f32.msk $0xffff, v8  }
0x11c: {  	[tilespmem:s0+$0x16500] =	vst.add.f32.msk $0xffff, v9  }
0x11d: {  	[tilespmem:s0+$0x16510] =	vst.add.f32.msk $0xffff, v10  }
0x11e: {  	[tilespmem:s0+$0x16520] =	vst.add.f32.msk $0xffff, v11  }
0x11f: {  	[tilespmem:s0+$0x16530] =	vst.add.f32.msk $0xffff, v12  }
0x120: {  	[tilespmem:s0+$0x16580] =	vst.add.f32.msk $0xffff, v13  }
0x121: {  	s1 =	simm.s32 $0x0;
	s11 =	simm.s32 $0x800;
	[tilespmem:s0+$0x16590] =	vst.add.f32.msk $0xffff, v14  }
.LBB2_9:
0x122: {  	s1 =	sadd.s32 $0x4, s1;
	[tilespmem:s0+$0x165A0] =	vst.add.f32.msk $0xffff, v0;
	s0 =	sshra.s32 s11, $0x2  }
0x123: {  	v0 =	vld [tilespmem:s0+$0x99B0];
	p0 =	slt.u32 s1, $0x5C  }
0x124: {  	v1 =	vld [tilespmem:s0+$0x9800]  }
0x125: {  	v2 =	vld [tilespmem:s0+$0x9810]  }
0x126: {  	v3 =	vld [tilespmem:s0+$0x9820]  }
0x127: {  	v4 =	vld [tilespmem:s0+$0x9830]  }
0x128: {  	[tilespmem:s0+$0x165B0] =	vst.add.f32.msk $0xffff, v0  }
0x129: {  	v5 =	vld [tilespmem:s0+$0x9880]  }
0x12a: {  	v6 =	vld [tilespmem:s0+$0x9890]  }
0x12b: {  	v7 =	vld [tilespmem:s0+$0x98A0]  }
0x12c: {  	v8 =	vld [tilespmem:s0+$0x98B0]  }
0x12d: {  	v9 =	vld [tilespmem:s0+$0x9900]  }
0x12e: {  	v10 =	vld [tilespmem:s0+$0x9910]  }
0x12f: {  	v11 =	vld [tilespmem:s0+$0x9920]  }
0x130: {  	v12 =	vld [tilespmem:s0+$0x9930]  }
0x131: {  	v13 =	vld [tilespmem:s0+$0x9980]  }
0x132: {  	v14 =	vld [tilespmem:s0+$0x9990]  }
0x133: {  	v0 =	vld [tilespmem:s0+$0x99A0]  }
0x134: {  	[tilespmem:s0+$0x16400] =	vst.add.f32.msk $0xffff, v1  }
0x135: {  	[tilespmem:s0+$0x16410] =	vst.add.f32.msk $0xffff, v2  }
0x136: {  	[tilespmem:s0+$0x16420] =	vst.add.f32.msk $0xffff, v3  }
0x137: {  	[tilespmem:s0+$0x16430] =	vst.add.f32.msk $0xffff, v4  }
0x138: {  	[tilespmem:s0+$0x16480] =	vst.add.f32.msk $0xffff, v5  }
0x139: {  	[tilespmem:s0+$0x16490] =	vst.add.f32.msk $0xffff, v6  }
0x13a: {  	[tilespmem:s0+$0x164A0] =	vst.add.f32.msk $0xffff, v7  }
0x13b: {  	[tilespmem:s0+$0x164B0] =	vst.add.f32.msk $0xffff, v8  }
0x13c: {  	[tilespmem:s0+$0x16500] =	vst.add.f32.msk $0xffff, v9  }
.Ltmp3:
0x13d: {  	[tilespmem:s0+$0x16510] =	vst.add.f32.msk $0xffff, v10;
	(pc) =	sbr.rel @p0 .LBB2_9-.Ltmp3, $4  }
0x13e: {  	[tilespmem:s0+$0x16520] =	vst.add.f32.msk $0xffff, v11  }
0x13f: {  	[tilespmem:s0+$0x16530] =	vst.add.f32.msk $0xffff, v12  }
0x140: {  	[tilespmem:s0+$0x16580] =	vst.add.f32.msk $0xffff, v13  }
0x141: {  	s11 =	sadd.s32 $0x800, s11;
	[tilespmem:s0+$0x16590] =	vst.add.f32.msk $0xffff, v14  }
0x142: {  	s28 =	sadd.s32 $0x1, s28  }
0x143: {  	p0 =	sne.s32 s28, $0x40  }
.Ltmp4:
0x144: {  	_ = 	snop;
	(pc) =	sbr.rel @p0 .LBB2_2-.Ltmp4, $4  }
0x145: {  	s1 =	sadd.s32 s29, s8  }
0x146: {  	s1 =	sshll.u32 s1, $0x4  }
0x147: {  	[tilespmem:s0+$0x165A0] =	vst.add.f32.msk $0xffff, v0;
	s31 =	sadd.s32 s6, s1  }
0x148: {  	[hbm4b:s31+s2] =	stream.linear.scatter [tilespmem:s19], [sflag:$0x8], $0x3000, $0x38;
	[tilespmem:$0x19800] =	vst v63  }
0x149: {  	_ =	swait.ge [sflag:s22], $0x3400  }
0x14a: {  	[sflag:s22] =	ssyncset.done $0x0  }
0x14b: {  	[sflag:s22] =	ssyncadd.s32 $0xFFFFCC00  }
0x14c: {  	_ =	swait.ge [sflag:s23], $0x3000  }
0x14d: {  	[sflag:s23] =	ssyncset.done $0x0  }
0x14e: {  	s26 =	sadd.s32 $0x1, s26;
	[sflag:s23] =	ssyncadd.s32 $0xFFFFD000  }
0x14f: {  	p0 =	sne.s32 s26, s9;
	_ =	swait.ge [sflag:s24], $0x3400  }
.Ltmp5:
0x150: {  	[sflag:s24] =	ssyncset.done $0x0;
	(pc) =	sbr.rel @p0 .LBB2_1-.Ltmp5, $4  }
0x151: {  	[sflag:s24] =	ssyncadd.s32 $0xFFFFCC00  }
0x152: {  	_ =	swait.ge [sflag:s25], $0x3000  }
0x153: {  	[sflag:s25] =	ssyncset.done $0x0  }
0x154: {  	[sflag:s25] =	ssyncadd.s32 $0xFFFFD000  }
0x155: {  	_ =	sfence.sel $0x180000  }
0x156: {  	[bflag:$0x0] =	sbarrier.arrive $0xFFFF  }
0x157: {  	_ =	strace $0x90000047  }
0x158: {  	s0 =	stileid.u32;
	[bflag:$0x2] =	sbarrier.arrive $0xFFFF  }
0x159: {  	p0 =	sne.s32 s0, $0x0;
	s0 =	rddreg [dreg:$0x2]  }
0x15a: {  	s0 =	sadd.s32 @!p0 $0x100000, s0  }
0x15b: {  	[sflag:s0] =	ssyncadd.tile.s32 @!p0 $0x1;
	_ =	shalt  }
.Lfunc_end2:
_tile_overlayer_lowered:
.L_overlay_start_2:
0x15c: {  	(tag) =	ssettag $0x2  }
0x15d: {  	s0 =	rddreg [dreg:$0x0];
	s2 =	stileid.u32  }
0x15e: {  	s1 =	rddreg [dreg:$0x1];
	p0 =	sne.s32 s2, $0x0  }
0x15f: {  	s3 =	rddreg [dreg:$0x2];
	[bflag:$0x3] =	sbarrier.arrive $0xFFFF;
	s2 =	simm.s32 @!p0 $0x1C09  }
0x160: {  	[timem:s3], [sflag:s2] =	dma.local @!p0 [hbm:s0], s1  }
0x161: {  	s0 =	simm.s32 @!p0 $0x9  }
0x162: {  	_ =	swait.ge @!p0 [sflag:s0], s1  }
0x163: {  	s1 =	ssub.s32 @!p0 $0x0, s1;
	[sflag:s0] =	ssyncset.done @!p0 $0x0  }
0x164: {  	[sflag:s0] =	ssyncadd.s32 @!p0 s1  }
0x165: {  	[bflag:$0x3] =	sbarrier.arrive $0xFFFF  }
0x166: {  	_ =	shalt  }

// kernel: sparse-core-data-format-call.cloned.1.call-start
scs
called_computation_lowered:
.L_overlay_start_0:
0x0: {  	s2 =	sld [smem:$0x3FD9]  }
0x1: {  	s3 =	sld [smem:$0x3FFE];
	_ =	sdelay $0x1  }
0x2: {  	s1 =	srdreg.scid  }
0x3: {  	s0 =	sand.u32 $0x1, s1  }
0x4: {  	s18 =	sshll.u32 s0, $0xA;
	s2 =	sadd.s32 s3, s2  }
0x5: {  	s2 =	sadd.s32 s2, s18  }
0x6: {  	[smem:$0x3FC5] =	sst s2  }
0x7: {  	_ = 	snop  }
0x8: {  	s2 =	sld [smem:$0x3FD0];
	(tm) =	ssettm $0x1  }
0x9: {  	s19 =	sld [smem:$0x3FFB];
	_ =	sdelay $0x3  }
0xa: {  	_ =	strace s19  }
0xb: {  	s3 =	sld [smem:$0x3FFC];
	_ =	sdelay $0x3  }
0xc: {  	_ =	strace s3  }
0xd: {  	s3 =	sld [smem:$0x3FFD];
	_ =	sdelay $0x3  }
0xe: {  	_ =	strace s3  }
0xf: {  	_ =	strace $0x8FFFFFFF  }
0x10: {  	s20 =	sld [smem:$0x3FDB];
	_ =	sdelay $0x1  }
0x11: {  	s4 =	simm.s32 $_scs_section_size  }
0x12: {  	s5 =	simm.s32 $_size__tile_overlayer_lowered;
	s6 =	simm.s32 $_tile_overlayer_lowered  }
0x13: {  	s23 =	simm.s32 $0x1BFF;
	s22 =	sshll.u32 s6, $0x1;
	s3 =	sadd.s32 s4, s20  }
0x14: {  	s7 =	simm.s32 $0x0;
	s21 =	sshll.u32 s5, $0x1;
	s5 =	sadd.s32 s22, s3  }
0x15: {  	[timem:s7], [sflag:s23] =	dma.local [hbm:s5], s21  }
0x16: {  	_ =	swait.ge [sflag:s23], s21  }
0x17: {  	s4 =	ssub.s32 $0x0, s21;
	[sflag:s23] =	ssyncset.done $0x0  }
0x18: {  	[sflag:s23] =	ssyncadd.s32 s4;
	_ =	sdelay $0x1  }
0x19: {  	s24 =	simm.s32 $0x1B8B  }
0x1a: {  	_ =	swait.ge [sflag:s24], $0x1  }
0x1b: {  	[sflag:s24] =	ssyncset.done $0x0  }
0x1c: {  	s26 =	simm.s32 $0x1B8E;
	s25 =	sld [smem:$0x3FFE];
	[sflag:s24] =	ssyncadd.s32 $0xFFFFFFFF  }
0x1d: {  	s27 =	simm.s32 $execute0_lowered;
	[smem:$0x3FD2] =	sst s26  }
0x1e: {  	s5 =	sshll.u32 s27, $0x1;
	_ =	strace $0x80000049;
	[dreg:$0x1] =	wrdreg $0xFFFFFFFF  }
0x1f: {  	s28 =	simm.s32 $_size_execute0_lowered;
	s3 =	sadd.s32 s3, s5;
	[dreg:$0x0] =	wrdreg $0x0  }
0x20: {  	s5 =	sshll.u32 s28, $0x1;
	[dreg:$0x2] =	wrdreg s3  }
0x21: {  	[dreg:$0x3] =	wrdreg s5  }
0x22: {  	[dreg:$0x4] =	wrdreg $0xC0  }
0x23: {  	_ =	task [dreg:s7], $0x5FFFF  }
0x24: {  	[dreg:$0x1] =	wrdreg $0xFFFFFFFF  }
0x25: {  	[dreg:$0x0] =	wrdreg $0x60  }
0x26: {  	[dreg:$0x2] =	wrdreg s25  }
0x27: {  	[dreg:$0x3] =	wrdreg s2  }
0x28: {  	[dreg:$0x4] =	wrdreg $0x9  }
0x29: {  	_ =	task.clear_ibuf [dreg:s7], $0x5FFFF;
	_ =	strace $0x90000049  }
0x2a: {  	s29 =	simm.s32 $0x9;
	_ =	strace $0x8000004B  }
0x2b: {  	_ =	swait.ge [sflag:s29], $0x1  }
0x2c: {  	[sflag:s29] =	ssyncadd.s32 $0xFFFFFFFF  }
0x2d: {  	_ =	strace $0x9000004B  }
0x2e: {  	_ =	sfence  }
0x2f: {  	s30 =	sld [smem:$0x0];
	_ =	sdelay $0x2  }
0x30: {  	s31 =	sshll.u32 s1, $0xD;
	s1 =	sshrl.u32 s1, $0x2  }
0x31: {  	s3 =	sand.u32 $0x4000, s31;
	s1 =	sadd.s32 s1, s30  }
0x32: {  	s0 =	sor.u32 s3, s0;
	s1 =	sshll.u32 s1, $0x11  }
0x33: {  	s0 =	sor.u32 s1, s0  }
0x34: {  	s0 =	sadd.s32 $0x8F2B, s0  }
0x35: {  	[sflag:s0] =	ssyncadd.remote.s32 $0x1  }
0x36: {  	_ =	sfence.sel $0xFFFF  }
0x37: {  	[dreg:$0x0] =	wrdreg $0xFFFFFFFF;
	(pc) =	sbr.abs _section_cstart, $3  }
0x38: {  	[dreg:$0x1] =	wrdreg $0xFFFFFFFF  }
0x39: {  	_ =	task.clear_ibuf [dreg:s7], $0x2FFFF;
	_ =	strace $0x9FFFFFFF  }
0x3a: {  	(tm) =	ssettm $0x7FFFFFFF  }
0x3b: {  	_ =	shalt  }
tec
execute0_lowered:
.L_overlay_start_1:
0x0: {  	(tag) =	ssettag $0x1  }
0x1: {  	s0 =	srdreg.scid  }
0x2: {  	s1 =	sshll.u32 s0, $0x4  }
0x3: {  	s0 =	stileid.u32;
	s1 =	sand.u32 $0x10, s1  }
0x4: {  	s1 =	sor.u32 s0, s1  }
0x5: {  	s6 =	rddreg [dreg:$0x0];
	s4 =	simm.s32 $0x1;
	s2 =	sshll.u32 s1, $0x7  }
0x6: {  	s7 =	simm.s32 $0x2;
	s12 =	simm.s32 $0x0;
	s1 =	ssub.s32 $0x1000, s2  }
0x7: {  	s8 =	simm.s32 $0x8000;
	s13 =	simm.s32 $0x0;
	s3 =	sand.u32 $0xF80, s1  }
0x8: {  	s9 =	simm.s32 $0x0;
	s5 =	sshrl.u32 s1, $0xC;
	p0 =	sne.s32 s3, $0x0  }
.Ltmp0:
0x9: {  	s1 =	rddreg [dreg:$0x2];
	s4 =	simm.s32 @!p0 $0x0;
	(pc) =	sbr.rel .LBB1_1-.Ltmp0, $4  }
0xa: {  	s11 =	simm.s32 $0x0;
	s3 =	rddreg [dreg:$0x1];
	s5 =	sadd.s32 s4, s5  }
0xb: {  	_ =	strace $0x8000004A;
	s4 =	simm.s32 $0x1;
	s5 =	smul.u32 $0xC8, s5  }
0xc: {  	s6 =	sadd.s32 $0xC00, s6;
	s10 =	smov.u32 s2;
	[sflag:s4] =	ssyncpa.u1 $0x0  }
0xd: {  	p0 =	por $0x0, $0x0;
	[sflag:s7] =	ssyncpa.u1 $0x0;
	s7 =	sor.u32 $0x1, s5  }
.LBB1_4:
0xe: {  	s16 =	sshll.u32 s13, $0x3;
	s17 =	sand.u32 $0x78, s13  }
0xf: {  	s30 =	sand.u32 $0x7E00, s13;
	s12 =	sshll.u32 s12, $0xF;
	s16 =	sand.u32 $0xC00, s16  }
0x10: {  	[tilespmem:s15+$0x810 ss:$0x81] =	vst.msk $0xffff, v2;
	s31 =	sand.u32 $0x7, s13;
	s16 =	sor.u32 s17, s16;
	s17 =	sadd.s32 s3, s30  }
0x11: {  	[tilespmem:s15+$0x1020 ss:$0x81] =	vst.msk $0xffff, v0;
	s13 =	sshll.u32 s31, $0x12;
	s12 =	sadd.s32 s12, s17;
	s16 =	sshrl.u32 s16, $0x3  }
0x12: {  	[tilespmem:s15+$0x0 ss:$0x81] =	vst.msk $0xffff, v1;
	s13 =	sor.u32 $0x400, s13;
	s12 =	sadd.s32 s16, s12  }
0x13: {  	[hbm4b:s12+s13] =	stream.strided.scatter [tilespmem:s14], [sflag:$0x2], $0x2000, s8, s13, $0x20;
	[tilespmem:$0x8080] =	vst v63  }
.LBB1_5:
0x14: {  	s14 =	sadd.s32 $0x1, s9  }
0x15: {  	s12 =	sadd.s32 $0x1000, s10;
	s16 =	smov.u32 s10;
	p2 =	sgt.s32 s14, $0xC7  }
0x16: {  	s16 =	smov.u32 @p2 s12  }
0x17: {  	s14 =	simm.s32 @p2 $0x0;
	p2 =	sgt.s32 s16, $0xFFF  }
0x18: {  	s16 =	smov.u32 @p2 s2;
	p2 =	sne.s32 s11, s7  }
.Ltmp1:
0x19: {  	p1 =	slt.u32 s11, $0x2;
	(pc) =	sbr.rel @!p2 .LBB1_6-.Ltmp1, $4  }
0x1a: {  	s15 =	simm.s32 @!p1 $0x2  }
0x1b: {  	s13 =	smov.u32 s10;
	p0 =	por !p0, !p0;
	_ =	swait.ge @!p1 [sflag:s15], $0x2000  }
0x1c: {  	s12 =	smov.u32 s9;
	[sflag:s15] =	ssyncset.done @!p1 $0x0;
	s9 =	smov.u32 s14  }
0x1d: {  	s11 =	sadd.s32 $0x1, s11;
	[sflag:s15] =	ssyncadd.s32 @!p1 $0xFFFFE000;
	s10 =	smov.u32 s16  }
.LBB1_1:
0x1e: {  	p1 =	sge.u32 s11, s5  }
0x1f: {  	s14 =	sand.u32 @!p1 $0x1FFFFFF, s9  }
0x20: {  	s15 =	smulhi.u32 @!p1 $0x147AE15, s14;
	_ =	sdelay $0x1  }
0x21: {  	s15 =	smul.u32 @!p1 $0xC8, s15  }
0x22: {  	s16 =	sxor.u32 @!p1 $0xFFFFFFFF, s11;
	s17 =	smul.u32 @!p1 $0xC80, s10  }
0x23: {  	s31 =	sadd.s32 $0xFFFFFFFF, s11;
	s16 =	sshll.u32 @!p1 s16, $0xD;
	s14 =	ssub.s32 @!p1 s14, s15  }
0x24: {  	s15 =	sand.u32 @!p1 $0x2000, s16;
	s16 =	sadd.s32 @!p1 s6, s17;
	s14 =	sshll.u32 @!p1 s14, $0x4  }
0x25: {  	s17 =	simm.s32 @!p1 $0x6400;
	s14 =	sadd.s32 @!p1 s14, s16;
	s16 =	simm.s32 @!p1 $0x40  }
0x26: {  	[tilespmem:s15], [sflag:$0x1] =	stream.strided.gather @!p1 [hbm4b:s14+s16], $0x2000, s17, s16, $0x38;
	[tilespmem:$0x8080] =	vst v63  }
0x27: {  	p1 =	sge.u32 s31, s5  }
.Ltmp2:
0x28: {  	_ = 	snop;
	(pc) =	sbr.rel @p1 .LBB1_5-.Ltmp2, $1  }
0x29: {  	_ =	sdelay $0x3  }
0x2a: {  	s14 =	simm.s32 $0x1  }
0x2b: {  	_ =	swait.ge [sflag:s4], $0x2000;
	s14 =	simm.s32 @!p0 $0x0  }
0x2c: {  	[sflag:s4] =	ssyncset.done $0x0;
	s15 =	sshll.u32 s14, $0xD  }
0x2d: {  	[sflag:s4] =	ssyncadd.s32 $0xFFFFE000;
	s18 =	sor.u32 $0x20, s15  }
0x2e: {  	s14 =	smul.u32 $0x8100, s14;
	v3 =	vld [tilespmem:s18+$0x10]  }
0x2f: {  	s30 =	sand.u32 $0x1, s11;
	v2 =	vld [tilespmem:s18+$0xFFFFFFF0]  }
0x30: {  	s15 =	smul.u32 $0x8100, s30;
	s14 =	sshrl.u32 s14, $0x2;
	v0 =	vld [tilespmem:s18+$0x0]  }
0x31: {  	v1 =	vld [tilespmem:s18+$0xFFFFFFE0];
	s16 =	sor.u32 $0x4000, s14  }
0x32: {  	s31 =	sshrl.u32 s15, $0x2;
	s15 =	sadd.s32 $0x0, s16  }
0x33: {  	s17 =	simm.s32 $0x4;
	s18 =	sadd.s32 $0x40, s18;
	s14 =	sor.u32 $0x4000, s31;
	[tilespmem:s15+$0x1830 ss:$0x81] =	vst.msk $0xffff, v3  }
.LBB1_3:
0x34: {  	v3 =	vld [tilespmem:s18+$0x10];
	p1 =	sne.s32 s17, $0x1FC;
	[tilespmem:s15+$0x810 ss:$0x81] =	vst.msk $0xffff, v2;
	s19 =	smov.u32 s17;
	s17 =	sadd.s32 $0x4, s17  }
.Ltmp3:
0x35: {  	v2 =	vld [tilespmem:s18+$0xFFFFFFF0];
	[tilespmem:s15+$0x1020 ss:$0x81] =	vst.msk $0xffff, v0;
	(pc) =	sbr.rel @p1 .LBB1_3-.Ltmp3, $4  }
0x36: {  	v0 =	vld [tilespmem:s18+$0x0];
	[tilespmem:s15+$0x0 ss:$0x81] =	vst.msk $0xffff, v1  }
0x37: {  	s15 =	sshra.s32 s19, $0x2;
	v1 =	vld [tilespmem:s18+$0xFFFFFFE0]  }
0x38: {  	s15 =	sadd.s32 s15, s16  }
0x39: {  	s18 =	sadd.s32 $0x40, s18;
	[tilespmem:s15+$0x1830 ss:$0x81] =	vst.msk $0xffff, v3  }
.Ltmp4:
0x3a: {  	_ = 	snop;
	(pc) =	sbr.rel .LBB1_4-.Ltmp4, $1  }
0x3b: {  	_ =	sdelay $0x3  }
.LBB1_6:
0x3c: {  	_ =	sfence.sel $0x180000  }
0x3d: {  	s2 =	simm.s32 $0x1;
	[bflag:$0x0] =	sbarrier.arrive $0xFFFF  }
0x3e: {  	s31 =	simm.s32 $0x2;
	[sflag:s2] =	ssyncpa.u1 $0x1  }
0x3f: {  	[sflag:s31] =	ssyncpa.u1 $0x1  }
0x40: {  	p0 =	sne.s32 s0, $0x0;
	_ =	strace $0x9000004A  }
0x41: {  	s0 =	sadd.s32 @!p0 $0x100000, s1;
	[bflag:$0x2] =	sbarrier.arrive $0xFFFF  }
0x42: {  	[sflag:s0] =	ssyncadd.tile.s32 @!p0 $0x1;
	_ =	shalt  }
.Lfunc_end1:
_tile_overlayer_lowered:
.L_overlay_start_2:
0x43: {  	(tag) =	ssettag $0x2  }
0x44: {  	s0 =	rddreg [dreg:$0x0];
	s2 =	stileid.u32  }
0x45: {  	s1 =	rddreg [dreg:$0x1];
	p0 =	sne.s32 s2, $0x0  }
0x46: {  	s3 =	rddreg [dreg:$0x2];
	[bflag:$0x3] =	sbarrier.arrive $0xFFFF;
	s2 =	simm.s32 @!p0 $0x1C01  }
0x47: {  	[timem:s3], [sflag:s2] =	dma.local @!p0 [hbm:s0], s1  }
0x48: {  	s0 =	simm.s32 @!p0 $0x1  }
0x49: {  	_ =	swait.ge @!p0 [sflag:s0], s1  }
0x4a: {  	s1 =	ssub.s32 @!p0 $0x0, s1;
	[sflag:s0] =	ssyncset.done @!p0 $0x0  }
0x4b: {  	[sflag:s0] =	ssyncadd.s32 @!p0 s1  }
0x4c: {  	[bflag:$0x3] =	sbarrier.arrive $0xFFFF  }
0x4d: {  	_ =	shalt  }

</sc_bundles>
